<compile_context>
chip_gen: v7x
topology: tpu7x:2x2x1
jax: 0.10.2.dev20260603
libtpu: 0.0.44.dev20260713+nightly
codegen_flags: <defaults>
</compile_context>

<pallas_src>
import functools
import math

import jax
import jax.numpy as jnp
import numpy as np
from jax import lax
from jax.experimental import pallas as pl
from jax.experimental.pallas import tpu as pltpu
from jax.experimental.pallas import tpu_sc as plsc

_IRR_NODE = ((32, 0), (16, 1), (8, 2))
_IRR_EDGE = ((1, 0), (1, 1), (1, 2))
_INS = ((0, 0, 0), (0, 1, 1), (0, 2, 2), (1, 0, 1), (1, 1, 0), (1, 1, 2),
        (1, 2, 1), (2, 0, 2), (2, 1, 1), (2, 2, 0), (2, 2, 2))


def _su2_cg_coeff(j1, m1, j2, m2, j3, m3):
    if m3 != m1 + m2:
        return 0.0
    f = math.factorial
    vmin = int(max(-j1 + j2 + m3, -j1 + m1, 0))
    vmax = int(min(j2 + j3 + m1, j3 - j1 + j2, j3 + m3))
    C = math.sqrt((2 * j3 + 1) * f(j3 + j1 - j2) * f(j3 - j1 + j2) * f(j1 + j2 - j3) * f(j3 + m3) * f(j3 - m3)
                  / (f(j1 + j2 + j3 + 1) * f(j1 - m1) * f(j1 + m1) * f(j2 - m2) * f(j2 + m2)))
    S = 0.0
    for v in range(vmin, vmax + 1):
        S += (-1.0) ** (v + j2 + m2) * f(j2 + j3 + m1 - v) * f(j1 - m1 + v) / (
            f(v) * f(j3 - j1 + j2 - v) * f(j3 + m3 - v) * f(v + j1 - j2 - m3))
    return C * S


def _real_q(l):
    q = np.zeros((2 * l + 1, 2 * l + 1), dtype=np.complex128)
    for m in range(-l, 0):
        q[l + m, l + abs(m)] = 1.0 / math.sqrt(2.0)
        q[l + m, l - abs(m)] = -1j / math.sqrt(2.0)
    q[l, l] = 1.0
    for m in range(1, l + 1):
        q[l + m, l + abs(m)] = (-1) ** m / math.sqrt(2.0)
        q[l + m, l - abs(m)] = 1j * ((-1) ** m) / math.sqrt(2.0)
    return ((-1j) ** l) * q


def _wigner3j(l1, l2, l3):
    C = np.zeros((2 * l1 + 1, 2 * l2 + 1, 2 * l3 + 1))
    for m1 in range(-l1, l1 + 1):
        for m2 in range(-l2, l2 + 1):
            m3 = m1 + m2
            if abs(m3) <= l3:
                C[l1 + m1, l2 + m2, l3 + m3] = _su2_cg_coeff(l1, m1, l2, m2, l3, m3)
    Q1, Q2, Q3 = _real_q(l1), _real_q(l2), _real_q(l3)
    Cr = np.real(np.einsum('ij,kl,mn,ikn->jlm', Q1, Q2, np.conj(Q3.T), C.astype(np.complex128)))
    n = np.linalg.norm(Cr)
    return (Cr / n).astype(np.float32) if n > 0 else Cr.astype(np.float32)


_C3J = {}
for _a, _b, _c in _INS:
    _k = (_IRR_NODE[_a][1], _IRR_EDGE[_b][1], _IRR_NODE[_c][1])
    if _k not in _C3J:
        _C3J[_k] = _wigner3j(*_k)

_PATHC = []
for (_i1, _i2, _io) in _INS:
    _fan = sum(_IRR_NODE[a][0] * _IRR_EDGE[b][0] for (a, b, c) in _INS if c == _io)
    _PATHC.append(math.sqrt((2 * _IRR_NODE[_io][1] + 1) / _fan))

_NODE_OFF = [0, 32, 80]
_EDGE_OFF = [0, 1, 4]
_DIM_NODE = 120
_W_OFF = []
_off = 0
for (_i1, _i2, _io) in _INS:
    _W_OFF.append(_off)
    _off += _IRR_NODE[_i1][0] * _IRR_NODE[_io][0]
_W_TOT = _off

_NNZ = []
_R_MATS = []
_S_MATS = []
for _idx, (_i1, _i2, _io) in enumerate(_INS):
    _mul1, _l1 = _IRR_NODE[_i1]
    _l2 = _IRR_EDGE[_i2][1]
    _mulo, _lo = _IRR_NODE[_io]
    _C = _C3J[(_l1, _l2, _lo)]
    _per_k = []
    for _kk in range(2 * _lo + 1):
        _lst = []
        for _ii in range(2 * _l1 + 1):
            for _jj in range(2 * _l2 + 1):
                _c = float(_C[_ii, _jj, _kk])
                if _c != 0.0:
                    _lst.append((_ii, _jj, _c))
        _per_k.append(_lst)
    _NNZ.append(_per_k)
    _R = np.zeros((_mul1, _mul1 * _mulo), np.float32)
    _S = np.zeros((_mul1 * _mulo, _mulo), np.float32)
    for _u in range(_mul1):
        for _w in range(_mulo):
            _R[_u, _u * _mulo + _w] = 1.0
            _S[_u * _mulo + _w, _w] = _PATHC[_idx]
    _R_MATS.append(_R)
    _S_MATS.append(_S)

_BE = 1024
_CH = 128
_FPAD = 128

_I2_GROUPS = [[i for i, ins in enumerate(_INS) if ins[1] == g] for g in range(3)]
_TALL_OFF = {}
_G_MATS = []
_cursor = 0
for _g in range(3):
    _d2 = 2 * _IRR_EDGE[_g][1] + 1
    _cols = 0
    for _idx in _I2_GROUPS[_g]:
        _i1 = _INS[_idx][0]
        _lo = _IRR_NODE[_INS[_idx][2]][1]
        _TALL_OFF[_idx] = _cursor + _cols
        _cols += (2 * _lo + 1) * _IRR_NODE[_i1][0]
    _G = np.zeros((_d2 * _FPAD, _cols), np.float32)
    _coff = 0
    for _idx in _I2_GROUPS[_g]:
        _i1, _i2, _io = _INS[_idx]
        _mul1, _l1 = _IRR_NODE[_i1]
        _lo = _IRR_NODE[_io][1]
        _C = _C3J[(_l1, _IRR_EDGE[_i2][1], _lo)]
        for _kk in range(2 * _lo + 1):
            for _ii in range(2 * _l1 + 1):
                for _jl in range(_d2):
                    _c = float(_C[_ii, _jl, _kk])
                    if _c != 0.0:
                        for _u in range(_mul1):
                            _G[_jl * _FPAD + _NODE_OFF[_i1] + _ii * _mul1 + _u,
                               _coff + _kk * _mul1 + _u] = _c
        _coff += (2 * _lo + 1) * _mul1
    _G_MATS.append(_G)
    _cursor += _cols
_TALL_DIM = _cursor

_BT_ROWS, _BT_COLS = [], []
for _gi, (_mul, _l) in enumerate(_IRR_NODE):
    _d = 2 * _l + 1
    for _kk in range(_d):
        for _u in range(_mul):
            for _v in range(_mul):
                _BT_ROWS.append(_NODE_OFF[_gi] + _kk * _mul + _u)
                _BT_COLS.append(_NODE_OFF[_gi] + _v * _d + _kk)
_BT_ROWS = np.asarray(_BT_ROWS, np.int32)
_BT_COLS = np.asarray(_BT_COLS, np.int32)

def _build_bt(lw0, lw1, lw2):
    vals = []
    for lw, (mul, l) in zip((lw0, lw1, lw2), _IRR_NODE):
        d = 2 * l + 1
        vals.append(jnp.tile(lw[None, :, :] / np.float32(math.sqrt(mul)), (d, 1, 1)).reshape(-1))
    vals = jnp.concatenate(vals)
    return jnp.zeros((_FPAD, _FPAD), jnp.float32).at[_BT_ROWS, _BT_COLS].set(vals)


def _silu(x):
    return x / (1.0 + jnp.exp(-x))


def _tc_body(x1_ref, sh_ref, er_ref, w1_ref, b1_ref, w2_ref, b2_ref, w3_ref,
             b3_ref, bt_ref, g0_ref, g1_ref, g2_ref, *rest):
    out_ref = rest[-1]
    rs = rest[:-1]
    f32 = jnp.float32
    bf16 = jnp.bfloat16

    er = er_ref[...]
    h = _silu(jnp.dot(er.astype(bf16), w1_ref[...], preferred_element_type=f32) + b1_ref[0:1, :])
    h = _silu(jnp.dot(h.astype(bf16), w2_ref[...], preferred_element_type=f32) + b2_ref[0:1, :])
    w = (jnp.dot(h.astype(bf16), w3_ref[...], preferred_element_type=f32)
         + b3_ref[0:1, :]).astype(bf16)

    sh = sh_ref[...].astype(bf16)
    x1 = x1_ref[...].astype(bf16)

    zs = [x1 * sh[:, j:j + 1] for j in range(9)]
    g_refs = (g0_ref, g1_ref, g2_ref)
    tparts = []
    for g, (lo_j, hi_j) in enumerate(((0, 1), (1, 4), (4, 9))):
        z = zs[lo_j] if hi_j - lo_j == 1 else jnp.concatenate(zs[lo_j:hi_j], axis=1)
        tparts.append(jnp.dot(z, g_refs[g][...], preferred_element_type=f32).astype(bf16))
    tall = jnp.concatenate(tparts, axis=1)

    parts = [[None] * (2 * l + 1) for (_, l) in _IRR_NODE]
    for idx, (i1, i2, io) in enumerate(_INS):
        mul1, l1 = _IRR_NODE[i1]
        mulo, lo = _IRR_NODE[io]
        nw = mul1 * mulo
        r_ref, s_ref = rs[2 * idx], rs[2 * idx + 1]
        wsl = w[:, _W_OFF[idx]:_W_OFF[idx] + nw]
        for k in range(2 * lo + 1):
            tk = tall[:, _TALL_OFF[idx] + k * mul1:_TALL_OFF[idx] + (k + 1) * mul1]
            texp = jnp.dot(tk, r_ref[...], preferred_element_type=f32)
            part = jnp.dot((wsl * texp).astype(bf16), s_ref[...], preferred_element_type=f32)
            parts[io][k] = part if parts[io][k] is None else parts[io][k] + part

    cols = []
    for gi in range(3):
        cols.extend(parts[gi])
    cols.append(jnp.zeros((x1.shape[0], _FPAD - _DIM_NODE), f32))
    msg_t = jnp.concatenate(cols, axis=1)
    out_ref[...] = jnp.dot(msg_t.astype(bf16), bt_ref[...], preferred_element_type=f32)


def _tc_messages(x1t, sh_pad, er_pad, w1t, b1r, w2t, b2r, w3t, b3r, bt, consts):
    epad = x1t.shape[0]
    grid = (epad // _BE,)
    edge_spec = lambda width: pl.BlockSpec((_BE, width), lambda i: (i, 0))
    full = lambda a: pl.BlockSpec(a.shape, lambda i: (0, 0))
    gmats = [jnp.asarray(g, jnp.bfloat16) for g in _G_MATS]
    in_specs = [edge_spec(_FPAD), edge_spec(16), edge_spec(8),
                full(w1t), full(b1r), full(w2t), full(b2r), full(w3t),
                full(b3r), full(bt)] + [full(g) for g in gmats] + [full(c) for c in consts]
    return pl.pallas_call(
        _tc_body,
        grid=grid,
        in_specs=in_specs,
        out_specs=pl.BlockSpec((_BE, _FPAD), lambda i: (i, 0)),
        out_shape=jax.ShapeDtypeStruct((epad, _FPAD), jnp.float32),
    )(x1t, sh_pad, er_pad, w1t, b1r, w2t, b2r, w3t, b3r, bt, *gmats, *consts)


def _sc_gather(table, src_pad):
    epad = src_pad.shape[0]
    mesh = plsc.VectorSubcoreMesh(core_axis_name="c", subcore_axis_name="s")
    rows_pt = epad // 32
    nch = rows_pt // _CH

    assert nch % 2 == 1 and nch >= 3

    @functools.partial(
        pl.kernel, mesh=mesh,
        out_type=jax.ShapeDtypeStruct((epad, _FPAD), jnp.float32),
        scratch_types=[pltpu.VMEM((_CH,), jnp.int32),
                       pltpu.VMEM((_CH,), jnp.int32),
                       pltpu.VMEM((_CH, _FPAD), jnp.float32),
                       pltpu.VMEM((_CH, _FPAD), jnp.float32),
                       pltpu.SemaphoreType.DMA,
                       pltpu.SemaphoreType.DMA],
    )
    def k(table_hbm, src_hbm, out_hbm, idx_v0, idx_v1, rows_v0, rows_v1,
          sem0, sem1):
        wid = lax.axis_index("s") * 2 + lax.axis_index("c")
        tbase = wid * rows_pt

        def start(c, idx_v, rows_v, sem):
            pltpu.sync_copy(src_hbm.at[pl.ds(tbase + c * _CH, _CH)], idx_v)
            pltpu.async_copy(table_hbm.at[idx_v], rows_v, sem)

        def drain_store(c, idx_v, rows_v, sem):
            pltpu.make_async_copy(table_hbm.at[idx_v], rows_v, sem).wait()
            pltpu.sync_copy(rows_v, out_hbm.at[pl.ds(tbase + c * _CH, _CH)])

        start(0, idx_v0, rows_v0, sem0)

        def step(t, carry):
            c = 2 * t
            start(c + 1, idx_v1, rows_v1, sem1)
            drain_store(c, idx_v0, rows_v0, sem0)
            start(c + 2, idx_v0, rows_v0, sem0)
            drain_store(c + 1, idx_v1, rows_v1, sem1)
            return carry

        lax.fori_loop(0, (nch - 1) // 2, step, 0)
        drain_store(nch - 1, idx_v0, rows_v0, sem0)

    return k(table, src_pad)


def _sc_scatter(msgs, dst_pad, nf_pad):
    epad = msgs.shape[0]
    npad = nf_pad.shape[0]
    mesh = plsc.VectorSubcoreMesh(core_axis_name="c", subcore_axis_name="s")
    rows_pt = epad // 16
    nch = rows_pt // _CH
    init_pt = npad // 16

    @functools.partial(
        pl.kernel, mesh=mesh,
        out_type=jax.ShapeDtypeStruct((npad, _FPAD), jnp.float32),
        scratch_types=[pltpu.VMEM((_CH, _FPAD), jnp.float32),
                       pltpu.VMEM((_CH,), jnp.int32),
                       pltpu.VMEM_SHARED((npad, _FPAD), jnp.float32)],
    )
    def k(msg_hbm, dst_hbm, nf_hbm, out_hbm, buf_v, idx_v, acc_sh):
        cid = lax.axis_index("c")
        sid = lax.axis_index("s")

        @pl.when(cid == 0)
        def _():
            pltpu.sync_copy(nf_hbm.at[pl.ds(sid * init_pt, init_pt)],
                            acc_sh.at[pl.ds(sid * init_pt, init_pt)])
            plsc.subcore_barrier()

            def step(i, carry):
                base = sid * rows_pt + i * _CH
                pltpu.sync_copy(dst_hbm.at[pl.ds(base, _CH)], idx_v)
                pltpu.sync_copy(msg_hbm.at[pl.ds(base, _CH)], buf_v)
                pltpu.sync_copy(buf_v, acc_sh.at[idx_v], add=True)
                return carry

            lax.fori_loop(0, nch, step, 0)
            plsc.subcore_barrier()
            pltpu.sync_copy(acc_sh.at[pl.ds(sid * init_pt, init_pt)],
                            out_hbm.at[pl.ds(sid * init_pt, init_pt)])

    return k(msgs, dst_pad, nf_pad)


def kernel(node_features, edge_index, edge_sh, edge_radial, W1, b1, W2, b2,
           W3, b3, lw0, lw1, lw2):
    N = node_features.shape[0]
    E = edge_sh.shape[0]
    epad = ((E + 4095) // 4096) * 4096
    npad = ((N + 2047) // 2048) * 2048

    segs = []
    for gi, (mul, l) in enumerate(_IRR_NODE):
        d = 2 * l + 1
        p = node_features[:, _NODE_OFF[gi]:_NODE_OFF[gi] + mul * d]
        segs.append(p.reshape(N, mul, d).transpose(0, 2, 1).reshape(N, mul * d))
    node_t = jnp.concatenate(segs + [jnp.zeros((N, _FPAD - _DIM_NODE), jnp.float32)], axis=1)

    src = edge_index[0].astype(jnp.int32)
    dst = edge_index[1].astype(jnp.int32)
    src_pad = jnp.zeros((epad,), jnp.int32).at[:E].set(src)
    dst_pad = jnp.zeros((epad,), jnp.int32).at[:E].set(dst)
    sh_pad = jnp.zeros((epad, 16), jnp.float32).at[:E, :9].set(edge_sh)
    er_pad = jnp.zeros((epad, 8), jnp.float32).at[:E, :].set(edge_radial)

    bf16 = jnp.bfloat16
    w1t = W1.T.astype(bf16)
    w2t = W2.T.astype(bf16)
    w3t = W3.T.astype(bf16)
    b1r = jnp.tile(b1[None, :], (8, 1))
    b2r = jnp.tile(b2[None, :], (8, 1))
    b3r = jnp.tile(b3[None, :], (8, 1))
    bt = _build_bt(lw0, lw1, lw2).astype(bf16)

    consts = []
    for r, s in zip(_R_MATS, _S_MATS):
        consts.append(jnp.asarray(r, bf16))
        consts.append(jnp.asarray(s, bf16))

    x1t = _sc_gather(node_t, src_pad)
    msgs = _tc_messages(x1t, sh_pad, er_pad, w1t, b1r, w2t, b2r, w3t, b3r, bt, consts)

    nf_pad = jnp.zeros((npad, _FPAD), jnp.float32).at[:N, :_DIM_NODE].set(node_features)
    outp = _sc_scatter(msgs, dst_pad, nf_pad)
    return outp[:N, :_DIM_NODE]

# --- scband reference (transcript-rebuilt; emitter-appended) ---
"""Pipeline reference for scband-gated-equivariant-block-60919816127126 (READ-ONLY COPY).

The authoritative reference and input builder live on the scoring server;
editing this copy changes nothing except your own understanding.
"""

import math
import jax, jax.numpy as jnp
import numpy as np

IRREPS_NODE = ((32, 0), (16, 1), (8, 2))
IRREPS_EDGE = ((1, 0), (1, 1), (1, 2))
INSTRUCTIONS = ((0, 0, 0), (0, 1, 1), (0, 2, 2), (1, 0, 1), (1, 1, 0), (1, 1, 2), (1, 2, 1), (2, 0, 2), (2, 1, 1), (2, 2, 0), (2, 2, 2))
WEIGHT_NUMEL = sum(IRREPS_NODE[a][0] * IRREPS_EDGE[b][0] * IRREPS_NODE[c][0] for a, b, c in INSTRUCTIONS)

def _su2_cg(j1, m1, j2, m2, j3, m3):
    if m3 != m1 + m2:
        return 0.0
    f = math.factorial
    vmin = int(max(-j1 + j2 + m3, -j1 + m1, 0))
    vmax = int(min(j2 + j3 + m1, j3 - j1 + j2, j3 + m3))
    C = math.sqrt((2 * j3 + 1) * f(j3 + j1 - j2) * f(j3 - j1 + j2) * f(j1 + j2 - j3) * f(j3 + m3) * f(j3 - m3) / (f(j1 + j2 + j3 + 1) * f(j1 - m1) * f(j1 + m1) * f(j2 - m2) * f(j2 + m2)))
    S = 0.0
    for v in range(vmin, vmax + 1):
        S += (-1.0) ** (v + j2 + m2) * f(j2 + j3 + m1 - v) * f(j1 - m1 + v) / (f(v) * f(j3 - j1 + j2 - v) * f(j3 + m3 - v) * f(v + j1 - j2 - m3))
    return C * S

def _q_real_to_complex(l):
    q = np.zeros((2 * l + 1, 2 * l + 1), dtype=np.complex128)
    for m in range(-l, 0):
        q[l + m, l + abs(m)] = 1.0 / math.sqrt(2.0)
        q[l + m, l - abs(m)] = -1j / math.sqrt(2.0)
    q[l, l] = 1.0
    for m in range(1, l + 1):
        q[l + m, l + abs(m)] = (-1) ** m / math.sqrt(2.0)
        q[l + m, l - abs(m)] = 1j * ((-1) ** m) / math.sqrt(2.0)
    return ((-1j) ** l) * q

def _wigner_3j(l1, l2, l3):
    C = np.zeros((2 * l1 + 1, 2 * l2 + 1, 2 * l3 + 1))
    for m1 in range(-l1, l1 + 1):
        for m2 in range(-l2, l2 + 1):
            m3 = m1 + m2
            if abs(m3) <= l3:
                C[l1 + m1, l2 + m2, l3 + m3] = _su2_cg(l1, m1, l2, m2, l3, m3)
    Q1 = _q_real_to_complex(l1)
    Q2 = _q_real_to_complex(l2)
    Q3 = _q_real_to_complex(l3)
    Cr = np.real(np.einsum('ij,kl,mn,ikn->jlm', Q1, Q2, np.conj(Q3.T), C.astype(np.complex128)))
    n = np.linalg.norm(Cr)
    return (Cr / n).astype(np.float32) if n > 0 else Cr.astype(np.float32)

W3J = {}
for _a, _b, _c in INSTRUCTIONS:
    _k = (IRREPS_NODE[_a][1], IRREPS_EDGE[_b][1], IRREPS_NODE[_c][1])
    if _k not in W3J:
        W3J[_k] = _wigner_3j(*_k)

def _path_coeffs():
    coeffs = []
    for (i1, i2, io) in INSTRUCTIONS:
        fan = sum(IRREPS_NODE[a][0] * IRREPS_EDGE[b][0] for (a, b, c) in INSTRUCTIONS if c == io)
        dim_out = 2 * IRREPS_NODE[io][1] + 1
        coeffs.append(math.sqrt(dim_out / fan))
    return tuple(coeffs)

PATH_COEFFS = _path_coeffs()

def _irrep_parts(x, irreps):
    parts = []
    off = 0
    for mul, l in irreps:
        d = 2 * l + 1
        parts.append(x[:, off:off + mul * d].reshape(x.shape[0], mul, d))
        off += mul * d
    return parts

def _tensor_product(x1, x2, w_flat):
    p1 = _irrep_parts(x1, IRREPS_NODE)
    p2 = _irrep_parts(x2, IRREPS_EDGE)
    E = x1.shape[0]
    outs = [jnp.zeros((E, mul, 2 * l + 1), x1.dtype) for mul, l in IRREPS_NODE]
    woff = 0
    for idx, (i1, i2, io) in enumerate(INSTRUCTIONS):
        mul1, l1 = IRREPS_NODE[i1]
        mul2, l2 = IRREPS_EDGE[i2]
        mulo, lo = IRREPS_NODE[io]
        nw = mul1 * mul2 * mulo
        W = w_flat[:, woff:woff + nw].reshape(E, mul1, mul2, mulo)
        woff += nw
        C = jnp.asarray(W3J[(l1, l2, lo)])
        msg = jnp.einsum('ijk,eui,evj,euvw->ewk', C, p1[i1], p2[i2], W)
        outs[io] = outs[io] + PATH_COEFFS[idx] * msg
    return jnp.concatenate([o.reshape(E, -1) for o in outs], axis=1)

def _self_interaction(x, ws):
    parts = _irrep_parts(x, IRREPS_NODE)
    outs = []
    for p, w in zip(parts, ws):
        y = jnp.einsum('nuk,uv->nvk', p, w) / math.sqrt(p.shape[1])
        outs.append(y.reshape(x.shape[0], -1))
    return jnp.concatenate(outs, axis=1)

def _forward(node_features, edge_index, edge_sh, edge_radial, W1, b1, W2, b2, W3, b3, lw0, lw1, lw2):
    src = edge_index[0]
    dst = edge_index[1]
    h = jax.nn.silu(edge_radial @ W1.T + b1)
    h = jax.nn.silu(h @ W2.T + b2)
    w = h @ W3.T + b3
    messages = _tensor_product(node_features[src], edge_sh, w)
    agg = jnp.zeros((node_features.shape[0], messages.shape[1]), messages.dtype).at[dst].add(messages)
    out = _self_interaction(agg, (lw0, lw1, lw2))
    return out + node_features

def setup_inputs(seed: int = 0):
    key = jax.random.key(seed)
    ks = jax.random.split(key, 13)
    N, E = 10000, 100000
    dim_node = sum(m * (2 * l + 1) for m, l in IRREPS_NODE)
    dim_edge = sum(m * (2 * l + 1) for m, l in IRREPS_EDGE)
    nb = 8
    def lin(kw, kb, fout, fin):
        bound = 1.0 / math.sqrt(fin)
        return (jax.random.uniform(kw, (fout, fin), jnp.float32, -bound, bound), jax.random.uniform(kb, (fout,), jnp.float32, -bound, bound))
    W1, b1 = lin(ks[2], ks[3], 64, nb)
    W2, b2 = lin(ks[4], ks[5], 64, 64)
    W3, b3 = lin(ks[6], ks[7], WEIGHT_NUMEL, 64)
    return {
        "node_features": jax.random.normal(ks[0], (N, dim_node), jnp.float32),
        "edge_index": jax.random.randint(ks[1], (2, E), 0, N, dtype=jnp.int32),
        "edge_sh": jax.random.normal(ks[11], (E, dim_edge), jnp.float32),
        "edge_radial": jax.random.uniform(ks[12], (E, nb), jnp.float32),
        "W1": W1, "b1": b1, "W2": W2, "b2": b2, "W3": W3, "b3": b3,
        "lw0": jax.random.normal(ks[8], (32, 32), jnp.float32),
        "lw1": jax.random.normal(ks[9], (16, 16), jnp.float32),
        "lw2": jax.random.normal(ks[10], (8, 8), jnp.float32),
    }

def reference(node_features, edge_index, edge_sh, edge_radial, W1, b1, W2, b2, W3, b3, lw0, lw1, lw2):
    return _forward(node_features, edge_index, edge_sh, edge_radial, W1, b1, W2, b2, W3, b3, lw0, lw1, lw2)

if __name__ == "__main__":
    import jax
    _d = setup_inputs()
    print(jax.jit(kernel)(*tuple(_d.values())))

</pallas_src>

<mosaic_0001>
#map = affine_map<(d0, d1) -> (0, 0)>
#map1 = affine_map<(d0, d1) -> (0)>
module attributes {stable_mosaic.version = 14 : i64} {
  func.func @k(%arg0: i32, %arg1: i32, %arg2: memref<10000x128xf32, #tpu.memory_space<hbm>>, %arg3: memref<102400xi32, #tpu.memory_space<hbm>>, %arg4: memref<102400x128xf32, #tpu.memory_space<hbm>>, %arg5: memref<128xi32, #tpu.memory_space<vmem>>, %arg6: memref<128xi32, #tpu.memory_space<vmem>>, %arg7: memref<128x128xf32, #tpu.memory_space<vmem>>, %arg8: memref<128x128xf32, #tpu.memory_space<vmem>>, %arg9: memref<!tpu.dma_semaphore, #tpu.memory_space<semaphore_mem>>, %arg10: memref<!tpu.dma_semaphore, #tpu.memory_space<semaphore_mem>>) attributes {dimension_semantics = [#tpu.dimension_semantics<core_parallel>, #tpu.dimension_semantics<subcore_parallel>], iteration_bounds = array<i64: 2, 16>, scalar_prefetch = 0 : i64, scratch_operands = 6 : i64, tpu.core_type = #tpu.core_type<sc_vector_subcore>, window_params = [{transform_indices = #map}, {transform_indices = #map1}, {transform_indices = #map}]} {
    %mul3A = arith.constant 2 : i32
    %mul3A_0 = arith.muli %arg1, %mul3A : i32
    %add3A = arith.addi %mul3A_0, %arg0 : i32
    %mul3A_1 = arith.constant 3200 : i32
    %mul3A_2 = arith.muli %add3A, %mul3A_1 : i32
    %add3A_3 = arith.constant 0 : i32
    %add3A_4 = arith.addi %mul3A_2, %add3A_3 : i32
    "tpu.region"() ({
      %run_scoped3A = tpu.sem_alloc : memref<!tpu.dma_semaphore, #tpu.memory_space<semaphore_mem>>
      %dma_start3A_16 = tpu.memref_slice %arg3[%add3A_4] : memref<102400xi32, #tpu.memory_space<hbm>> -> memref<128xi32, #tpu.memory_space<hbm>>
      %dma_start3A_17 = tpu.memref_slice %arg3[%add3A_4] : memref<102400xi32, #tpu.memory_space<hbm>> -> memref<128xi32, #tpu.memory_space<hbm>>
      tpu.enqueue_dma source(%dma_start3A_17 : memref<128xi32, #tpu.memory_space<hbm>>) target(%arg5 : memref<128xi32, #tpu.memory_space<vmem>>) target_semaphore(%run_scoped3A : memref<!tpu.dma_semaphore, #tpu.memory_space<semaphore_mem>>)
      %dma_wait3A_18 = tpu.memref_slice %arg3[%add3A_4] : memref<102400xi32, #tpu.memory_space<hbm>> -> memref<128xi32, #tpu.memory_space<hbm>>
      %dma_wait3A_19 = tpu.memref_slice %arg3[%add3A_4] : memref<102400xi32, #tpu.memory_space<hbm>> -> memref<128xi32, #tpu.memory_space<hbm>>
      tpu.wait_dma2 semaphore(%run_scoped3A : memref<!tpu.dma_semaphore, #tpu.memory_space<semaphore_mem>>) src(%dma_wait3A_19 : memref<128xi32, #tpu.memory_space<hbm>>) dst(%arg5 : memref<128xi32, #tpu.memory_space<vmem>>)
      tpu.yield
    }) : () -> ()
    %dma_start3A = arith.constant 0 : i32
    %dma_start3A_5 = arith.constant 0 : i32
    %dma_start3A_6 = tpu.memref_slice %arg2[%dma_start3A, %dma_start3A_5] : memref<10000x128xf32, #tpu.memory_space<hbm>> -> memref<10000x128xf32, #tpu.memory_space<hbm>>
    tpu.enqueue_indirect_dma source(%dma_start3A_6 : memref<10000x128xf32, #tpu.memory_space<hbm>>) target(%arg7 : memref<128x128xf32, #tpu.memory_space<vmem>>) offsets(%arg5 : memref<128xi32, #tpu.memory_space<vmem>>) semaphore(%arg9 : memref<!tpu.dma_semaphore, #tpu.memory_space<semaphore_mem>>)
    %scan3A = arith.constant 0 : i32
    %scan3A_7 = arith.constant 0 : i32
    %scan3A_8 = arith.constant 12 : i32
    %scan3A_9 = arith.addi %scan3A_7, %scan3A_8 : i32
    %scan3A_10 = arith.constant 1 : i32
    scf.for %scan3A_16 = %scan3A_7 to %scan3A_9 step %scan3A_10  : i32 {
      %mul3A_17 = arith.constant 2 : i32
      %mul3A_18 = arith.muli %mul3A_17, %scan3A_16 : i32
      %add3A_19 = arith.constant 1 : i32
      %add3A_20 = arith.addi %mul3A_18, %add3A_19 : i32
      %mul3A_21 = arith.constant 128 : i32
      %mul3A_22 = arith.muli %add3A_20, %mul3A_21 : i32
      %add3A_23 = arith.addi %mul3A_2, %mul3A_22 : i32
      "tpu.region"() ({
        %run_scoped3A = tpu.sem_alloc : memref<!tpu.dma_semaphore, #tpu.memory_space<semaphore_mem>>
        %dma_start3A_49 = tpu.memref_slice %arg3[%add3A_23] : memref<102400xi32, #tpu.memory_space<hbm>> -> memref<128xi32, #tpu.memory_space<hbm>>
        %dma_start3A_50 = tpu.memref_slice %arg3[%add3A_23] : memref<102400xi32, #tpu.memory_space<hbm>> -> memref<128xi32, #tpu.memory_space<hbm>>
        tpu.enqueue_dma source(%dma_start3A_50 : memref<128xi32, #tpu.memory_space<hbm>>) target(%arg6 : memref<128xi32, #tpu.memory_space<vmem>>) target_semaphore(%run_scoped3A : memref<!tpu.dma_semaphore, #tpu.memory_space<semaphore_mem>>)
        %dma_wait3A_51 = tpu.memref_slice %arg3[%add3A_23] : memref<102400xi32, #tpu.memory_space<hbm>> -> memref<128xi32, #tpu.memory_space<hbm>>
        %dma_wait3A_52 = tpu.memref_slice %arg3[%add3A_23] : memref<102400xi32, #tpu.memory_space<hbm>> -> memref<128xi32, #tpu.memory_space<hbm>>
        tpu.wait_dma2 semaphore(%run_scoped3A : memref<!tpu.dma_semaphore, #tpu.memory_space<semaphore_mem>>) src(%dma_wait3A_52 : memref<128xi32, #tpu.memory_space<hbm>>) dst(%arg6 : memref<128xi32, #tpu.memory_space<vmem>>)
        tpu.yield
      }) : () -> ()
      %dma_start3A_24 = arith.constant 0 : i32
      %dma_start3A_25 = arith.constant 0 : i32
      %dma_start3A_26 = tpu.memref_slice %arg2[%dma_start3A_24, %dma_start3A_25] : memref<10000x128xf32, #tpu.memory_space<hbm>> -> memref<10000x128xf32, #tpu.memory_space<hbm>>
      tpu.enqueue_indirect_dma source(%dma_start3A_26 : memref<10000x128xf32, #tpu.memory_space<hbm>>) target(%arg8 : memref<128x128xf32, #tpu.memory_space<vmem>>) offsets(%arg6 : memref<128xi32, #tpu.memory_space<vmem>>) semaphore(%arg10 : memref<!tpu.dma_semaphore, #tpu.memory_space<semaphore_mem>>)
      %dma_wait3A_27 = arith.constant 0 : i32
      %dma_wait3A_28 = arith.constant 0 : i32
      %dma_wait3A_29 = tpu.memref_slice %arg2[%dma_wait3A_27, %dma_wait3A_28] : memref<10000x128xf32, #tpu.memory_space<hbm>> -> memref<10000x128xf32, #tpu.memory_space<hbm>>
      tpu.wait_indirect_dma semaphore(%arg9 : memref<!tpu.dma_semaphore, #tpu.memory_space<semaphore_mem>>) src(%dma_wait3A_29 : memref<10000x128xf32, #tpu.memory_space<hbm>>) dst(%arg7 : memref<128x128xf32, #tpu.memory_space<vmem>>)
      %mul3A_30 = arith.constant 128 : i32
      %mul3A_31 = arith.muli %mul3A_18, %mul3A_30 : i32
      %add3A_32 = arith.addi %mul3A_2, %mul3A_31 : i32
      "tpu.region"() ({
        %run_scoped3A = tpu.sem_alloc : memref<!tpu.dma_semaphore, #tpu.memory_space<semaphore_mem>>
        %dma_start3A_49 = arith.constant 0 : i32
        %dma_start3A_50 = tpu.memref_slice %arg4[%add3A_32, %dma_start3A_49] : memref<102400x128xf32, #tpu.memory_space<hbm>> -> memref<128x128xf32, #tpu.memory_space<hbm>>
        %dma_start3A_51 = arith.constant 0 : i32
        %dma_start3A_52 = tpu.memref_slice %arg4[%add3A_32, %dma_start3A_51] : memref<102400x128xf32, #tpu.memory_space<hbm>> -> memref<128x128xf32, #tpu.memory_space<hbm>>
        tpu.enqueue_dma source(%arg7 : memref<128x128xf32, #tpu.memory_space<vmem>>) target(%dma_start3A_52 : memref<128x128xf32, #tpu.memory_space<hbm>>) target_semaphore(%run_scoped3A : memref<!tpu.dma_semaphore, #tpu.memory_space<semaphore_mem>>)
        %dma_wait3A_53 = arith.constant 0 : i32
        %dma_wait3A_54 = tpu.memref_slice %arg4[%add3A_32, %dma_wait3A_53] : memref<102400x128xf32, #tpu.memory_space<hbm>> -> memref<128x128xf32, #tpu.memory_space<hbm>>
        %dma_wait3A_55 = arith.constant 0 : i32
        %dma_wait3A_56 = tpu.memref_slice %arg4[%add3A_32, %dma_wait3A_55] : memref<102400x128xf32, #tpu.memory_space<hbm>> -> memref<128x128xf32, #tpu.memory_space<hbm>>
        tpu.wait_dma2 semaphore(%run_scoped3A : memref<!tpu.dma_semaphore, #tpu.memory_space<semaphore_mem>>) src(%arg7 : memref<128x128xf32, #tpu.memory_space<vmem>>) dst(%dma_wait3A_56 : memref<128x128xf32, #tpu.memory_space<hbm>>)
        tpu.yield
      }) : () -> ()
      %add3A_33 = arith.constant 2 : i32
      %add3A_34 = arith.addi %mul3A_18, %add3A_33 : i32
      %mul3A_35 = arith.constant 128 : i32
      %mul3A_36 = arith.muli %add3A_34, %mul3A_35 : i32
      %add3A_37 = arith.addi %mul3A_2, %mul3A_36 : i32
      "tpu.region"() ({
        %run_scoped3A = tpu.sem_alloc : memref<!tpu.dma_semaphore, #tpu.memory_space<semaphore_mem>>
        %dma_start3A_49 = tpu.memref_slice %arg3[%add3A_37] : memref<102400xi32, #tpu.memory_space<hbm>> -> memref<128xi32, #tpu.memory_space<hbm>>
        %dma_start3A_50 = tpu.memref_slice %arg3[%add3A_37] : memref<102400xi32, #tpu.memory_space<hbm>> -> memref<128xi32, #tpu.memory_space<hbm>>
        tpu.enqueue_dma source(%dma_start3A_50 : memref<128xi32, #tpu.memory_space<hbm>>) target(%arg5 : memref<128xi32, #tpu.memory_space<vmem>>) target_semaphore(%run_scoped3A : memref<!tpu.dma_semaphore, #tpu.memory_space<semaphore_mem>>)
        %dma_wait3A_51 = tpu.memref_slice %arg3[%add3A_37] : memref<102400xi32, #tpu.memory_space<hbm>> -> memref<128xi32, #tpu.memory_space<hbm>>
        %dma_wait3A_52 = tpu.memref_slice %arg3[%add3A_37] : memref<102400xi32, #tpu.memory_space<hbm>> -> memref<128xi32, #tpu.memory_space<hbm>>
        tpu.wait_dma2 semaphore(%run_scoped3A : memref<!tpu.dma_semaphore, #tpu.memory_space<semaphore_mem>>) src(%dma_wait3A_52 : memref<128xi32, #tpu.memory_space<hbm>>) dst(%arg5 : memref<128xi32, #tpu.memory_space<vmem>>)
        tpu.yield
      }) : () -> ()
      %dma_start3A_38 = arith.constant 0 : i32
      %dma_start3A_39 = arith.constant 0 : i32
      %dma_start3A_40 = tpu.memref_slice %arg2[%dma_start3A_38, %dma_start3A_39] : memref<10000x128xf32, #tpu.memory_space<hbm>> -> memref<10000x128xf32, #tpu.memory_space<hbm>>
      tpu.enqueue_indirect_dma source(%dma_start3A_40 : memref<10000x128xf32, #tpu.memory_space<hbm>>) target(%arg7 : memref<128x128xf32, #tpu.memory_space<vmem>>) offsets(%arg5 : memref<128xi32, #tpu.memory_space<vmem>>) semaphore(%arg9 : memref<!tpu.dma_semaphore, #tpu.memory_space<semaphore_mem>>)
      %add3A_41 = arith.constant 1 : i32
      %add3A_42 = arith.addi %mul3A_18, %add3A_41 : i32
      %dma_wait3A_43 = arith.constant 0 : i32
      %dma_wait3A_44 = arith.constant 0 : i32
      %dma_wait3A_45 = tpu.memref_slice %arg2[%dma_wait3A_43, %dma_wait3A_44] : memref<10000x128xf32, #tpu.memory_space<hbm>> -> memref<10000x128xf32, #tpu.memory_space<hbm>>
      tpu.wait_indirect_dma semaphore(%arg10 : memref<!tpu.dma_semaphore, #tpu.memory_space<semaphore_mem>>) src(%dma_wait3A_45 : memref<10000x128xf32, #tpu.memory_space<hbm>>) dst(%arg8 : memref<128x128xf32, #tpu.memory_space<vmem>>)
      %mul3A_46 = arith.constant 128 : i32
      %mul3A_47 = arith.muli %add3A_42, %mul3A_46 : i32
      %add3A_48 = arith.addi %mul3A_2, %mul3A_47 : i32
      "tpu.region"() ({
        %run_scoped3A = tpu.sem_alloc : memref<!tpu.dma_semaphore, #tpu.memory_space<semaphore_mem>>
        %dma_start3A_49 = arith.constant 0 : i32
        %dma_start3A_50 = tpu.memref_slice %arg4[%add3A_48, %dma_start3A_49] : memref<102400x128xf32, #tpu.memory_space<hbm>> -> memref<128x128xf32, #tpu.memory_space<hbm>>
        %dma_start3A_51 = arith.constant 0 : i32
        %dma_start3A_52 = tpu.memref_slice %arg4[%add3A_48, %dma_start3A_51] : memref<102400x128xf32, #tpu.memory_space<hbm>> -> memref<128x128xf32, #tpu.memory_space<hbm>>
        tpu.enqueue_dma source(%arg8 : memref<128x128xf32, #tpu.memory_space<vmem>>) target(%dma_start3A_52 : memref<128x128xf32, #tpu.memory_space<hbm>>) target_semaphore(%run_scoped3A : memref<!tpu.dma_semaphore, #tpu.memory_space<semaphore_mem>>)
        %dma_wait3A_53 = arith.constant 0 : i32
        %dma_wait3A_54 = tpu.memref_slice %arg4[%add3A_48, %dma_wait3A_53] : memref<102400x128xf32, #tpu.memory_space<hbm>> -> memref<128x128xf32, #tpu.memory_space<hbm>>
        %dma_wait3A_55 = arith.constant 0 : i32
        %dma_wait3A_56 = tpu.memref_slice %arg4[%add3A_48, %dma_wait3A_55] : memref<102400x128xf32, #tpu.memory_space<hbm>> -> memref<128x128xf32, #tpu.memory_space<hbm>>
        tpu.wait_dma2 semaphore(%run_scoped3A : memref<!tpu.dma_semaphore, #tpu.memory_space<semaphore_mem>>) src(%arg8 : memref<128x128xf32, #tpu.memory_space<vmem>>) dst(%dma_wait3A_56 : memref<128x128xf32, #tpu.memory_space<hbm>>)
        tpu.yield
      }) : () -> ()
    }
    %scan3A_11 = arith.constant 12 : i32
    %dma_wait3A = arith.constant 0 : i32
    %dma_wait3A_12 = arith.constant 0 : i32
    %dma_wait3A_13 = tpu.memref_slice %arg2[%dma_wait3A, %dma_wait3A_12] : memref<10000x128xf32, #tpu.memory_space<hbm>> -> memref<10000x128xf32, #tpu.memory_space<hbm>>
    tpu.wait_indirect_dma semaphore(%arg9 : memref<!tpu.dma_semaphore, #tpu.memory_space<semaphore_mem>>) src(%dma_wait3A_13 : memref<10000x128xf32, #tpu.memory_space<hbm>>) dst(%arg7 : memref<128x128xf32, #tpu.memory_space<vmem>>)
    %add3A_14 = arith.constant 3072 : i32
    %add3A_15 = arith.addi %mul3A_2, %add3A_14 : i32
    "tpu.region"() ({
      %run_scoped3A = tpu.sem_alloc : memref<!tpu.dma_semaphore, #tpu.memory_space<semaphore_mem>>
      %dma_start3A_16 = arith.constant 0 : i32
      %dma_start3A_17 = tpu.memref_slice %arg4[%add3A_15, %dma_start3A_16] : memref<102400x128xf32, #tpu.memory_space<hbm>> -> memref<128x128xf32, #tpu.memory_space<hbm>>
      %dma_start3A_18 = arith.constant 0 : i32
      %dma_start3A_19 = tpu.memref_slice %arg4[%add3A_15, %dma_start3A_18] : memref<102400x128xf32, #tpu.memory_space<hbm>> -> memref<128x128xf32, #tpu.memory_space<hbm>>
      tpu.enqueue_dma source(%arg7 : memref<128x128xf32, #tpu.memory_space<vmem>>) target(%dma_start3A_19 : memref<128x128xf32, #tpu.memory_space<hbm>>) target_semaphore(%run_scoped3A : memref<!tpu.dma_semaphore, #tpu.memory_space<semaphore_mem>>)
      %dma_wait3A_20 = arith.constant 0 : i32
      %dma_wait3A_21 = tpu.memref_slice %arg4[%add3A_15, %dma_wait3A_20] : memref<102400x128xf32, #tpu.memory_space<hbm>> -> memref<128x128xf32, #tpu.memory_space<hbm>>
      %dma_wait3A_22 = arith.constant 0 : i32
      %dma_wait3A_23 = tpu.memref_slice %arg4[%add3A_15, %dma_wait3A_22] : memref<102400x128xf32, #tpu.memory_space<hbm>> -> memref<128x128xf32, #tpu.memory_space<hbm>>
      tpu.wait_dma2 semaphore(%run_scoped3A : memref<!tpu.dma_semaphore, #tpu.memory_space<semaphore_mem>>) src(%arg7 : memref<128x128xf32, #tpu.memory_space<vmem>>) dst(%dma_wait3A_23 : memref<128x128xf32, #tpu.memory_space<hbm>>)
      tpu.yield
    }) : () -> ()
    return
  }
}

#map = affine_map<(d0, d1) -> (0, 0)>
#map1 = affine_map<(d0, d1) -> (0)>
module attributes {stable_mosaic.version = 14 : i64} {
  func.func @k(%arg0: i32, %arg1: i32, %arg2: memref<102400x128xf32, #tpu.memory_space<hbm>>, %arg3: memref<102400xi32, #tpu.memory_space<hbm>>, %arg4: memref<10240x128xf32, #tpu.memory_space<hbm>>, %arg5: memref<10240x128xf32, #tpu.memory_space<hbm>>, %arg6: memref<128x128xf32, #tpu.memory_space<vmem>>, %arg7: memref<128xi32, #tpu.memory_space<vmem>>, %arg8: memref<10240x128xf32, #tpu.memory_space<vmem_shared>>) attributes {dimension_semantics = [#tpu.dimension_semantics<core_parallel>, #tpu.dimension_semantics<subcore_parallel>], iteration_bounds = array<i64: 2, 16>, scalar_prefetch = 0 : i64, scratch_operands = 3 : i64, tpu.core_type = #tpu.core_type<sc_vector_subcore>, window_params = [{transform_indices = #map}, {transform_indices = #map1}, {transform_indices = #map}, {transform_indices = #map}]} {
    %eq3A = arith.constant 0 : i32
    %eq3A_0 = arith.cmpi eq, %arg0, %eq3A : i32
    %convert_element_type3A = arith.extui %eq3A_0 : i1 to i32
    %cond3A = arith.constant 0 : i32
    %cond3A_1 = arith.cmpi ne, %convert_element_type3A, %cond3A : i32
    scf.if %cond3A_1 {
      %mul3A = arith.constant 640 : i32
      %mul3A_2 = arith.muli %arg1, %mul3A : i32
      %mul3A_3 = arith.constant 640 : i32
      %mul3A_4 = arith.muli %arg1, %mul3A_3 : i32
      "tpu.region"() ({
        %run_scoped3A = tpu.sem_alloc : memref<!tpu.dma_semaphore, #tpu.memory_space<semaphore_mem>>
        %dma_start3A = arith.constant 0 : i32
        %dma_start3A_15 = tpu.memref_slice %arg8[%mul3A_4, %dma_start3A] : memref<10240x128xf32, #tpu.memory_space<vmem_shared>> -> memref<640x128xf32, #tpu.memory_space<vmem_shared>>
        %dma_start3A_16 = arith.constant 0 : i32
        %dma_start3A_17 = tpu.memref_slice %arg4[%mul3A_2, %dma_start3A_16] : memref<10240x128xf32, #tpu.memory_space<hbm>> -> memref<640x128xf32, #tpu.memory_space<hbm>>
        tpu.enqueue_dma source(%dma_start3A_17 : memref<640x128xf32, #tpu.memory_space<hbm>>) target(%dma_start3A_15 : memref<640x128xf32, #tpu.memory_space<vmem_shared>>) target_semaphore(%run_scoped3A : memref<!tpu.dma_semaphore, #tpu.memory_space<semaphore_mem>>)
        %dma_wait3A = arith.constant 0 : i32
        %dma_wait3A_18 = tpu.memref_slice %arg8[%mul3A_4, %dma_wait3A] : memref<10240x128xf32, #tpu.memory_space<vmem_shared>> -> memref<640x128xf32, #tpu.memory_space<vmem_shared>>
        %dma_wait3A_19 = arith.constant 0 : i32
        %dma_wait3A_20 = tpu.memref_slice %arg4[%mul3A_2, %dma_wait3A_19] : memref<10240x128xf32, #tpu.memory_space<hbm>> -> memref<640x128xf32, #tpu.memory_space<hbm>>
        tpu.wait_dma2 semaphore(%run_scoped3A : memref<!tpu.dma_semaphore, #tpu.memory_space<semaphore_mem>>) src(%dma_wait3A_20 : memref<640x128xf32, #tpu.memory_space<hbm>>) dst(%dma_wait3A_18 : memref<640x128xf32, #tpu.memory_space<vmem_shared>>)
        tpu.yield
      }) : () -> ()
      %barrier3A = arith.constant 0 : index
      tpu.barrier barrier_id(%barrier3A)
      %scan3A = arith.constant 0 : i32
      %scan3A_5 = arith.constant 0 : i32
      %scan3A_6 = arith.constant 50 : i32
      %scan3A_7 = arith.addi %scan3A_5, %scan3A_6 : i32
      %scan3A_8 = arith.constant 1 : i32
      scf.for %scan3A_15 = %scan3A_5 to %scan3A_7 step %scan3A_8  : i32 {
        %mul3A_16 = arith.constant 6400 : i32
        %mul3A_17 = arith.muli %arg1, %mul3A_16 : i32
        %mul3A_18 = arith.constant 128 : i32
        %mul3A_19 = arith.muli %scan3A_15, %mul3A_18 : i32
        %add3A = arith.addi %mul3A_17, %mul3A_19 : i32
        "tpu.region"() ({
          %run_scoped3A = tpu.sem_alloc : memref<!tpu.dma_semaphore, #tpu.memory_space<semaphore_mem>>
          %dma_start3A = tpu.memref_slice %arg3[%add3A] : memref<102400xi32, #tpu.memory_space<hbm>> -> memref<128xi32, #tpu.memory_space<hbm>>
          %dma_start3A_20 = tpu.memref_slice %arg3[%add3A] : memref<102400xi32, #tpu.memory_space<hbm>> -> memref<128xi32, #tpu.memory_space<hbm>>
          tpu.enqueue_dma source(%dma_start3A_20 : memref<128xi32, #tpu.memory_space<hbm>>) target(%arg7 : memref<128xi32, #tpu.memory_space<vmem>>) target_semaphore(%run_scoped3A : memref<!tpu.dma_semaphore, #tpu.memory_space<semaphore_mem>>)
          %dma_wait3A = tpu.memref_slice %arg3[%add3A] : memref<102400xi32, #tpu.memory_space<hbm>> -> memref<128xi32, #tpu.memory_space<hbm>>
          %dma_wait3A_21 = tpu.memref_slice %arg3[%add3A] : memref<102400xi32, #tpu.memory_space<hbm>> -> memref<128xi32, #tpu.memory_space<hbm>>
          tpu.wait_dma2 semaphore(%run_scoped3A : memref<!tpu.dma_semaphore, #tpu.memory_space<semaphore_mem>>) src(%dma_wait3A_21 : memref<128xi32, #tpu.memory_space<hbm>>) dst(%arg7 : memref<128xi32, #tpu.memory_space<vmem>>)
          tpu.yield
        }) : () -> ()
        "tpu.region"() ({
          %run_scoped3A = tpu.sem_alloc : memref<!tpu.dma_semaphore, #tpu.memory_space<semaphore_mem>>
          %dma_start3A = arith.constant 0 : i32
          %dma_start3A_20 = tpu.memref_slice %arg2[%add3A, %dma_start3A] : memref<102400x128xf32, #tpu.memory_space<hbm>> -> memref<128x128xf32, #tpu.memory_space<hbm>>
          %dma_start3A_21 = arith.constant 0 : i32
          %dma_start3A_22 = tpu.memref_slice %arg2[%add3A, %dma_start3A_21] : memref<102400x128xf32, #tpu.memory_space<hbm>> -> memref<128x128xf32, #tpu.memory_space<hbm>>
          tpu.enqueue_dma source(%dma_start3A_22 : memref<128x128xf32, #tpu.memory_space<hbm>>) target(%arg6 : memref<128x128xf32, #tpu.memory_space<vmem>>) target_semaphore(%run_scoped3A : memref<!tpu.dma_semaphore, #tpu.memory_space<semaphore_mem>>)
          %dma_wait3A = arith.constant 0 : i32
          %dma_wait3A_23 = tpu.memref_slice %arg2[%add3A, %dma_wait3A] : memref<102400x128xf32, #tpu.memory_space<hbm>> -> memref<128x128xf32, #tpu.memory_space<hbm>>
          %dma_wait3A_24 = arith.constant 0 : i32
          %dma_wait3A_25 = tpu.memref_slice %arg2[%add3A, %dma_wait3A_24] : memref<102400x128xf32, #tpu.memory_space<hbm>> -> memref<128x128xf32, #tpu.memory_space<hbm>>
          tpu.wait_dma2 semaphore(%run_scoped3A : memref<!tpu.dma_semaphore, #tpu.memory_space<semaphore_mem>>) src(%dma_wait3A_25 : memref<128x128xf32, #tpu.memory_space<hbm>>) dst(%arg6 : memref<128x128xf32, #tpu.memory_space<vmem>>)
          tpu.yield
        }) : () -> ()
        "tpu.region"() ({
          %run_scoped3A = tpu.sem_alloc : memref<!tpu.dma_semaphore, #tpu.memory_space<semaphore_mem>>
          %dma_start3A = arith.constant 0 : i32
          %dma_start3A_20 = arith.constant 0 : i32
          %dma_start3A_21 = tpu.memref_slice %arg8[%dma_start3A, %dma_start3A_20] : memref<10240x128xf32, #tpu.memory_space<vmem_shared>> -> memref<10240x128xf32, #tpu.memory_space<vmem_shared>>
          tpu.enqueue_indirect_dma source(%arg6 : memref<128x128xf32, #tpu.memory_space<vmem>>) target(%dma_start3A_21 : memref<10240x128xf32, #tpu.memory_space<vmem_shared>>) offsets(%arg7 : memref<128xi32, #tpu.memory_space<vmem>>) semaphore(%run_scoped3A : memref<!tpu.dma_semaphore, #tpu.memory_space<semaphore_mem>>) {add = true}
          %dma_wait3A = arith.constant 0 : i32
          %dma_wait3A_22 = arith.constant 0 : i32
          %dma_wait3A_23 = tpu.memref_slice %arg8[%dma_wait3A, %dma_wait3A_22] : memref<10240x128xf32, #tpu.memory_space<vmem_shared>> -> memref<10240x128xf32, #tpu.memory_space<vmem_shared>>
          tpu.wait_indirect_dma semaphore(%run_scoped3A : memref<!tpu.dma_semaphore, #tpu.memory_space<semaphore_mem>>) src(%arg6 : memref<128x128xf32, #tpu.memory_space<vmem>>) dst(%dma_wait3A_23 : memref<10240x128xf32, #tpu.memory_space<vmem_shared>>)
          tpu.yield
        }) : () -> ()
      }
      %scan3A_9 = arith.constant 50 : i32
      %barrier3A_10 = arith.constant 0 : index
      tpu.barrier barrier_id(%barrier3A_10)
      %mul3A_11 = arith.constant 640 : i32
      %mul3A_12 = arith.muli %arg1, %mul3A_11 : i32
      %mul3A_13 = arith.constant 640 : i32
      %mul3A_14 = arith.muli %arg1, %mul3A_13 : i32
      "tpu.region"() ({
        %run_scoped3A = tpu.sem_alloc : memref<!tpu.dma_semaphore, #tpu.memory_space<semaphore_mem>>
        %dma_start3A = arith.constant 0 : i32
        %dma_start3A_15 = tpu.memref_slice %arg5[%mul3A_14, %dma_start3A] : memref<10240x128xf32, #tpu.memory_space<hbm>> -> memref<640x128xf32, #tpu.memory_space<hbm>>
        %dma_start3A_16 = arith.constant 0 : i32
        %dma_start3A_17 = tpu.memref_slice %arg8[%mul3A_12, %dma_start3A_16] : memref<10240x128xf32, #tpu.memory_space<vmem_shared>> -> memref<640x128xf32, #tpu.memory_space<vmem_shared>>
        tpu.enqueue_dma source(%dma_start3A_17 : memref<640x128xf32, #tpu.memory_space<vmem_shared>>) target(%dma_start3A_15 : memref<640x128xf32, #tpu.memory_space<hbm>>) target_semaphore(%run_scoped3A : memref<!tpu.dma_semaphore, #tpu.memory_space<semaphore_mem>>)
        %dma_wait3A = arith.constant 0 : i32
        %dma_wait3A_18 = tpu.memref_slice %arg5[%mul3A_14, %dma_wait3A] : memref<10240x128xf32, #tpu.memory_space<hbm>> -> memref<640x128xf32, #tpu.memory_space<hbm>>
        %dma_wait3A_19 = arith.constant 0 : i32
        %dma_wait3A_20 = tpu.memref_slice %arg8[%mul3A_12, %dma_wait3A_19] : memref<10240x128xf32, #tpu.memory_space<vmem_shared>> -> memref<640x128xf32, #tpu.memory_space<vmem_shared>>
        tpu.wait_dma2 semaphore(%run_scoped3A : memref<!tpu.dma_semaphore, #tpu.memory_space<semaphore_mem>>) src(%dma_wait3A_20 : memref<640x128xf32, #tpu.memory_space<vmem_shared>>) dst(%dma_wait3A_18 : memref<640x128xf32, #tpu.memory_space<hbm>>)
        tpu.yield
      }) : () -> ()
    } else {
    }
    return
  }
}

module attributes {stable_mosaic.version = 14 : i64} {
  func.func @_tc_body(%arg0: i32, %arg1: memref<1024x128xf32, #tpu.memory_space<vmem>>, %arg2: memref<1024x16xf32, #tpu.memory_space<vmem>>, %arg3: memref<1024x8xf32, #tpu.memory_space<vmem>>, %arg4: memref<8x64xbf16, #tpu.memory_space<vmem>>, %arg5: memref<8x64xf32, #tpu.memory_space<vmem>>, %arg6: memref<64x64xbf16, #tpu.memory_space<vmem>>, %arg7: memref<8x64xf32, #tpu.memory_space<vmem>>, %arg8: memref<64x3456xbf16, #tpu.memory_space<vmem>>, %arg9: memref<8x3456xf32, #tpu.memory_space<vmem>>, %arg10: memref<128x128xbf16, #tpu.memory_space<vmem>>, %arg11: memref<128x120xbf16, #tpu.memory_space<vmem>>, %arg12: memref<384x216xbf16, #tpu.memory_space<vmem>>, %arg13: memref<640x256xbf16, #tpu.memory_space<vmem>>, %arg14: memref<32x1024xbf16, #tpu.memory_space<vmem>>, %arg15: memref<1024x32xbf16, #tpu.memory_space<vmem>>, %arg16: memref<32x512xbf16, #tpu.memory_space<vmem>>, %arg17: memref<512x16xbf16, #tpu.memory_space<vmem>>, %arg18: memref<32x256xbf16, #tpu.memory_space<vmem>>, %arg19: memref<256x8xbf16, #tpu.memory_space<vmem>>, %arg20: memref<16x256xbf16, #tpu.memory_space<vmem>>, %arg21: memref<256x16xbf16, #tpu.memory_space<vmem>>, %arg22: memref<16x512xbf16, #tpu.memory_space<vmem>>, %arg23: memref<512x32xbf16, #tpu.memory_space<vmem>>, %arg24: memref<16x128xbf16, #tpu.memory_space<vmem>>, %arg25: memref<128x8xbf16, #tpu.memory_space<vmem>>, %arg26: memref<16x256xbf16, #tpu.memory_space<vmem>>, %arg27: memref<256x16xbf16, #tpu.memory_space<vmem>>, %arg28: memref<8x64xbf16, #tpu.memory_space<vmem>>, %arg29: memref<64x8xbf16, #tpu.memory_space<vmem>>, %arg30: memref<8x128xbf16, #tpu.memory_space<vmem>>, %arg31: memref<128x16xbf16, #tpu.memory_space<vmem>>, %arg32: memref<8x256xbf16, #tpu.memory_space<vmem>>, %arg33: memref<256x32xbf16, #tpu.memory_space<vmem>>, %arg34: memref<8x64xbf16, #tpu.memory_space<vmem>>, %arg35: memref<64x8xbf16, #tpu.memory_space<vmem>>, %arg36: memref<1024x128xf32, #tpu.memory_space<vmem>>) attributes {dimension_semantics = [#tpu.dimension_semantics<arbitrary>], iteration_bounds = array<i64: 100>, scalar_prefetch = 0 : i64, scratch_operands = 0 : i64, tpu.core_type = #tpu.core_type<tc>, window_params = [{transform_indices = @transform_0, window_bounds = array<i64: 1024, 128>}, {transform_indices = @transform_1, window_bounds = array<i64: 1024, 16>}, {transform_indices = @transform_2, window_bounds = array<i64: 1024, 8>}, {pipeline_mode = #tpu.pipeline_mode<synchronous>, transform_indices = @transform_3, window_bounds = array<i64: 8, 64>}, {pipeline_mode = #tpu.pipeline_mode<synchronous>, transform_indices = @transform_4, window_bounds = array<i64: 8, 64>}, {pipeline_mode = #tpu.pipeline_mode<synchronous>, transform_indices = @transform_5, window_bounds = array<i64: 64, 64>}, {pipeline_mode = #tpu.pipeline_mode<synchronous>, transform_indices = @transform_6, window_bounds = array<i64: 8, 64>}, {pipeline_mode = #tpu.pipeline_mode<synchronous>, transform_indices = @transform_7, window_bounds = array<i64: 64, 3456>}, {pipeline_mode = #tpu.pipeline_mode<synchronous>, transform_indices = @transform_8, window_bounds = array<i64: 8, 3456>}, {pipeline_mode = #tpu.pipeline_mode<synchronous>, transform_indices = @transform_9, window_bounds = array<i64: 128, 128>}, {pipeline_mode = #tpu.pipeline_mode<synchronous>, transform_indices = @transform_10, window_bounds = array<i64: 128, 120>}, {pipeline_mode = #tpu.pipeline_mode<synchronous>, transform_indices = @transform_11, window_bounds = array<i64: 384, 216>}, {pipeline_mode = #tpu.pipeline_mode<synchronous>, transform_indices = @transform_12, window_bounds = array<i64: 640, 256>}, {pipeline_mode = #tpu.pipeline_mode<synchronous>, transform_indices = @transform_13, window_bounds = array<i64: 32, 1024>}, {pipeline_mode = #tpu.pipeline_mode<synchronous>, transform_indices = @transform_14, window_bounds = array<i64: 1024, 32>}, {pipeline_mode = #tpu.pipeline_mode<synchronous>, transform_indices = @transform_15, window_bounds = array<i64: 32, 512>}, {pipeline_mode = #tpu.pipeline_mode<synchronous>, transform_indices = @transform_16, window_bounds = array<i64: 512, 16>}, {pipeline_mode = #tpu.pipeline_mode<synchronous>, transform_indices = @transform_17, window_bounds = array<i64: 32, 256>}, {pipeline_mode = #tpu.pipeline_mode<synchronous>, transform_indices = @transform_18, window_bounds = array<i64: 256, 8>}, {pipeline_mode = #tpu.pipeline_mode<synchronous>, transform_indices = @transform_19, window_bounds = array<i64: 16, 256>}, {pipeline_mode = #tpu.pipeline_mode<synchronous>, transform_indices = @transform_20, window_bounds = array<i64: 256, 16>}, {pipeline_mode = #tpu.pipeline_mode<synchronous>, transform_indices = @transform_21, window_bounds = array<i64: 16, 512>}, {pipeline_mode = #tpu.pipeline_mode<synchronous>, transform_indices = @transform_22, window_bounds = array<i64: 512, 32>}, {pipeline_mode = #tpu.pipeline_mode<synchronous>, transform_indices = @transform_23, window_bounds = array<i64: 16, 128>}, {pipeline_mode = #tpu.pipeline_mode<synchronous>, transform_indices = @transform_24, window_bounds = array<i64: 128, 8>}, {pipeline_mode = #tpu.pipeline_mode<synchronous>, transform_indices = @transform_25, window_bounds = array<i64: 16, 256>}, {pipeline_mode = #tpu.pipeline_mode<synchronous>, transform_indices = @transform_26, window_bounds = array<i64: 256, 16>}, {pipeline_mode = #tpu.pipeline_mode<synchronous>, transform_indices = @transform_27, window_bounds = array<i64: 8, 64>}, {pipeline_mode = #tpu.pipeline_mode<synchronous>, transform_indices = @transform_28, window_bounds = array<i64: 64, 8>}, {pipeline_mode = #tpu.pipeline_mode<synchronous>, transform_indices = @transform_29, window_bounds = array<i64: 8, 128>}, {pipeline_mode = #tpu.pipeline_mode<synchronous>, transform_indices = @transform_30, window_bounds = array<i64: 128, 16>}, {pipeline_mode = #tpu.pipeline_mode<synchronous>, transform_indices = @transform_31, window_bounds = array<i64: 8, 256>}, {pipeline_mode = #tpu.pipeline_mode<synchronous>, transform_indices = @transform_32, window_bounds = array<i64: 256, 32>}, {pipeline_mode = #tpu.pipeline_mode<synchronous>, transform_indices = @transform_33, window_bounds = array<i64: 8, 64>}, {pipeline_mode = #tpu.pipeline_mode<synchronous>, transform_indices = @transform_34, window_bounds = array<i64: 64, 8>}, {transform_indices = @transform_35, window_bounds = array<i64: 1024, 128>}]} {
    %get3A = arith.constant 0 : index
    %get3A_0 = arith.constant 0 : index
    %get3A_1 = vector.load %arg3[%get3A, %get3A_0] : memref<1024x8xf32, #tpu.memory_space<vmem>>, vector<1024x8xf32>
    %convert_element_type3A = arith.truncf %get3A_1 : vector<1024x8xf32> to vector<1024x8xbf16>
    %get3A_2 = arith.constant 0 : index
    %get3A_3 = arith.constant 0 : index
    %get3A_4 = vector.load %arg4[%get3A_2, %get3A_3] : memref<8x64xbf16, #tpu.memory_space<vmem>>, vector<8x64xbf16>
    %dot_general3A = arith.constant dense<0.000000e+00> : vector<1024x64xf32>
    %dot_general3A_5 = tpu.matmul %convert_element_type3A, %get3A_4, %dot_general3A {dimension_numbers = #tpu.dot_dimension_numbers<[1], [0], [0], [1], [0, 0, 1, 1], [], []>, transpose_lhs_hint = false} : vector<1024x8xbf16>, vector<8x64xbf16>, vector<1024x64xf32> -> vector<1024x64xf32>
    %get3A_6 = arith.constant 0 : index
    %get3A_7 = arith.constant 0 : index
    %get3A_8 = vector.load %arg5[%get3A_6, %get3A_7] : memref<8x64xf32, #tpu.memory_space<vmem>>, vector<1x64xf32>
    %add3A = vector.broadcast %get3A_8 : vector<1x64xf32> to vector<1024x64xf32>
    %add3A_9 = arith.addf %dot_general3A_5, %add3A : vector<1024x64xf32>
    %neg3A = arith.constant 0.000000e+00 : f32
    %neg3A_10 = vector.broadcast %neg3A : f32 to vector<1024x64xf32>
    %neg3A_11 = arith.subf %neg3A_10, %add3A_9 : vector<1024x64xf32>
    %exp3A = math.exp %neg3A_11 : vector<1024x64xf32>
    %add3A_12 = arith.constant 1.000000e+00 : f32
    %add3A_13 = vector.broadcast %add3A_12 : f32 to vector<1024x64xf32>
    %add3A_14 = arith.addf %add3A_13, %exp3A : vector<1024x64xf32>
    %div3A = arith.divf %add3A_9, %add3A_14 : vector<1024x64xf32>
    %convert_element_type3A_15 = arith.truncf %div3A : vector<1024x64xf32> to vector<1024x64xbf16>
    %get3A_16 = arith.constant 0 : index
    %get3A_17 = arith.constant 0 : index
    %get3A_18 = vector.load %arg6[%get3A_16, %get3A_17] : memref<64x64xbf16, #tpu.memory_space<vmem>>, vector<64x64xbf16>
    %dot_general3A_19 = arith.constant dense<0.000000e+00> : vector<1024x64xf32>
    %dot_general3A_20 = tpu.matmul %convert_element_type3A_15, %get3A_18, %dot_general3A_19 {dimension_numbers = #tpu.dot_dimension_numbers<[1], [0], [0], [1], [0, 0, 1, 1], [], []>, transpose_lhs_hint = false} : vector<1024x64xbf16>, vector<64x64xbf16>, vector<1024x64xf32> -> vector<1024x64xf32>
    %get3A_21 = arith.constant 0 : index
    %get3A_22 = arith.constant 0 : index
    %get3A_23 = vector.load %arg7[%get3A_21, %get3A_22] : memref<8x64xf32, #tpu.memory_space<vmem>>, vector<1x64xf32>
    %add3A_24 = vector.broadcast %get3A_23 : vector<1x64xf32> to vector<1024x64xf32>
    %add3A_25 = arith.addf %dot_general3A_20, %add3A_24 : vector<1024x64xf32>
    %neg3A_26 = arith.constant 0.000000e+00 : f32
    %neg3A_27 = vector.broadcast %neg3A_26 : f32 to vector<1024x64xf32>
    %neg3A_28 = arith.subf %neg3A_27, %add3A_25 : vector<1024x64xf32>
    %exp3A_29 = math.exp %neg3A_28 : vector<1024x64xf32>
    %add3A_30 = arith.constant 1.000000e+00 : f32
    %add3A_31 = vector.broadcast %add3A_30 : f32 to vector<1024x64xf32>
    %add3A_32 = arith.addf %add3A_31, %exp3A_29 : vector<1024x64xf32>
    %div3A_33 = arith.divf %add3A_25, %add3A_32 : vector<1024x64xf32>
    %convert_element_type3A_34 = arith.truncf %div3A_33 : vector<1024x64xf32> to vector<1024x64xbf16>
    %get3A_35 = arith.constant 0 : index
    %get3A_36 = arith.constant 0 : index
    %get3A_37 = vector.load %arg8[%get3A_35, %get3A_36] : memref<64x3456xbf16, #tpu.memory_space<vmem>>, vector<64x3456xbf16>
    %dot_general3A_38 = arith.constant dense<0.000000e+00> : vector<1024x3456xf32>
    %dot_general3A_39 = tpu.matmul %convert_element_type3A_34, %get3A_37, %dot_general3A_38 {dimension_numbers = #tpu.dot_dimension_numbers<[1], [0], [0], [1], [0, 0, 1, 1], [], []>, transpose_lhs_hint = false} : vector<1024x64xbf16>, vector<64x3456xbf16>, vector<1024x3456xf32> -> vector<1024x3456xf32>
    %get3A_40 = arith.constant 0 : index
    %get3A_41 = arith.constant 0 : index
    %get3A_42 = vector.load %arg9[%get3A_40, %get3A_41] : memref<8x3456xf32, #tpu.memory_space<vmem>>, vector<1x3456xf32>
    %add3A_43 = vector.broadcast %get3A_42 : vector<1x3456xf32> to vector<1024x3456xf32>
    %add3A_44 = arith.addf %dot_general3A_39, %add3A_43 : vector<1024x3456xf32>
    %convert_element_type3A_45 = arith.truncf %add3A_44 : vector<1024x3456xf32> to vector<1024x3456xbf16>
    %get3A_46 = arith.constant 0 : index
    %get3A_47 = arith.constant 0 : index
    %get3A_48 = vector.load %arg2[%get3A_46, %get3A_47] : memref<1024x16xf32, #tpu.memory_space<vmem>>, vector<1024x16xf32>
    %convert_element_type3A_49 = arith.truncf %get3A_48 : vector<1024x16xf32> to vector<1024x16xbf16>
    %get3A_50 = arith.constant 0 : index
    %get3A_51 = arith.constant 0 : index
    %get3A_52 = vector.load %arg1[%get3A_50, %get3A_51] : memref<1024x128xf32, #tpu.memory_space<vmem>>, vector<1024x128xf32>
    %convert_element_type3A_53 = arith.truncf %get3A_52 : vector<1024x128xf32> to vector<1024x128xbf16>
    %slice3A = vector.extract_strided_slice %convert_element_type3A_49 {offsets = [0, 0], sizes = [1024, 1], strides = [1, 1]} : vector<1024x16xbf16> to vector<1024x1xbf16>
    %mul3A = vector.broadcast %slice3A : vector<1024x1xbf16> to vector<1024x128xbf16>
    %mul3A_54 = arith.mulf %convert_element_type3A_53, %mul3A : vector<1024x128xbf16>
    %slice3A_55 = vector.extract_strided_slice %convert_element_type3A_49 {offsets = [0, 1], sizes = [1024, 1], strides = [1, 1]} : vector<1024x16xbf16> to vector<1024x1xbf16>
    %mul3A_56 = vector.broadcast %slice3A_55 : vector<1024x1xbf16> to vector<1024x128xbf16>
    %mul3A_57 = arith.mulf %convert_element_type3A_53, %mul3A_56 : vector<1024x128xbf16>
    %slice3A_58 = vector.extract_strided_slice %convert_element_type3A_49 {offsets = [0, 2], sizes = [1024, 1], strides = [1, 1]} : vector<1024x16xbf16> to vector<1024x1xbf16>
    %mul3A_59 = vector.broadcast %slice3A_58 : vector<1024x1xbf16> to vector<1024x128xbf16>
    %mul3A_60 = arith.mulf %convert_element_type3A_53, %mul3A_59 : vector<1024x128xbf16>
    %slice3A_61 = vector.extract_strided_slice %convert_element_type3A_49 {offsets = [0, 3], sizes = [1024, 1], strides = [1, 1]} : vector<1024x16xbf16> to vector<1024x1xbf16>
    %mul3A_62 = vector.broadcast %slice3A_61 : vector<1024x1xbf16> to vector<1024x128xbf16>
    %mul3A_63 = arith.mulf %convert_element_type3A_53, %mul3A_62 : vector<1024x128xbf16>
    %slice3A_64 = vector.extract_strided_slice %convert_element_type3A_49 {offsets = [0, 4], sizes = [1024, 1], strides = [1, 1]} : vector<1024x16xbf16> to vector<1024x1xbf16>
    %mul3A_65 = vector.broadcast %slice3A_64 : vector<1024x1xbf16> to vector<1024x128xbf16>
    %mul3A_66 = arith.mulf %convert_element_type3A_53, %mul3A_65 : vector<1024x128xbf16>
    %slice3A_67 = vector.extract_strided_slice %convert_element_type3A_49 {offsets = [0, 5], sizes = [1024, 1], strides = [1, 1]} : vector<1024x16xbf16> to vector<1024x1xbf16>
    %mul3A_68 = vector.broadcast %slice3A_67 : vector<1024x1xbf16> to vector<1024x128xbf16>
    %mul3A_69 = arith.mulf %convert_element_type3A_53, %mul3A_68 : vector<1024x128xbf16>
    %slice3A_70 = vector.extract_strided_slice %convert_element_type3A_49 {offsets = [0, 6], sizes = [1024, 1], strides = [1, 1]} : vector<1024x16xbf16> to vector<1024x1xbf16>
    %mul3A_71 = vector.broadcast %slice3A_70 : vector<1024x1xbf16> to vector<1024x128xbf16>
    %mul3A_72 = arith.mulf %convert_element_type3A_53, %mul3A_71 : vector<1024x128xbf16>
    %slice3A_73 = vector.extract_strided_slice %convert_element_type3A_49 {offsets = [0, 7], sizes = [1024, 1], strides = [1, 1]} : vector<1024x16xbf16> to vector<1024x1xbf16>
    %mul3A_74 = vector.broadcast %slice3A_73 : vector<1024x1xbf16> to vector<1024x128xbf16>
    %mul3A_75 = arith.mulf %convert_element_type3A_53, %mul3A_74 : vector<1024x128xbf16>
    %slice3A_76 = vector.extract_strided_slice %convert_element_type3A_49 {offsets = [0, 8], sizes = [1024, 1], strides = [1, 1]} : vector<1024x16xbf16> to vector<1024x1xbf16>
    %mul3A_77 = vector.broadcast %slice3A_76 : vector<1024x1xbf16> to vector<1024x128xbf16>
    %mul3A_78 = arith.mulf %convert_element_type3A_53, %mul3A_77 : vector<1024x128xbf16>
    %get3A_79 = arith.constant 0 : index
    %get3A_80 = arith.constant 0 : index
    %get3A_81 = vector.load %arg11[%get3A_79, %get3A_80] : memref<128x120xbf16, #tpu.memory_space<vmem>>, vector<128x120xbf16>
    %dot_general3A_82 = arith.constant dense<0.000000e+00> : vector<1024x120xf32>
    %dot_general3A_83 = tpu.matmul %mul3A_54, %get3A_81, %dot_general3A_82 {dimension_numbers = #tpu.dot_dimension_numbers<[1], [0], [0], [1], [0, 0, 1, 1], [], []>, transpose_lhs_hint = false} : vector<1024x128xbf16>, vector<128x120xbf16>, vector<1024x120xf32> -> vector<1024x120xf32>
    %convert_element_type3A_84 = arith.truncf %dot_general3A_83 : vector<1024x120xf32> to vector<1024x120xbf16>
    %concatenate3A = tpu.concatenate %mul3A_57, %mul3A_60, %mul3A_63 in 1 : vector<1024x128xbf16>, vector<1024x128xbf16>, vector<1024x128xbf16> -> vector<1024x384xbf16>
    %get3A_85 = arith.constant 0 : index
    %get3A_86 = arith.constant 0 : index
    %get3A_87 = vector.load %arg12[%get3A_85, %get3A_86] : memref<384x216xbf16, #tpu.memory_space<vmem>>, vector<384x216xbf16>
    %dot_general3A_88 = arith.constant dense<0.000000e+00> : vector<1024x216xf32>
    %dot_general3A_89 = tpu.matmul %concatenate3A, %get3A_87, %dot_general3A_88 {dimension_numbers = #tpu.dot_dimension_numbers<[1], [0], [0], [1], [0, 0, 1, 1], [], []>, transpose_lhs_hint = false} : vector<1024x384xbf16>, vector<384x216xbf16>, vector<1024x216xf32> -> vector<1024x216xf32>
    %convert_element_type3A_90 = arith.truncf %dot_general3A_89 : vector<1024x216xf32> to vector<1024x216xbf16>
    %concatenate3A_91 = tpu.concatenate %mul3A_66, %mul3A_69, %mul3A_72, %mul3A_75, %mul3A_78 in 1 : vector<1024x128xbf16>, vector<1024x128xbf16>, vector<1024x128xbf16>, vector<1024x128xbf16>, vector<1024x128xbf16> -> vector<1024x640xbf16>
    %get3A_92 = arith.constant 0 : index
    %get3A_93 = arith.constant 0 : index
    %get3A_94 = vector.load %arg13[%get3A_92, %get3A_93] : memref<640x256xbf16, #tpu.memory_space<vmem>>, vector<640x256xbf16>
    %dot_general3A_95 = arith.constant dense<0.000000e+00> : vector<1024x256xf32>
    %dot_general3A_96 = tpu.matmul %concatenate3A_91, %get3A_94, %dot_general3A_95 {dimension_numbers = #tpu.dot_dimension_numbers<[1], [0], [0], [1], [0, 0, 1, 1], [], []>, transpose_lhs_hint = false} : vector<1024x640xbf16>, vector<640x256xbf16>, vector<1024x256xf32> -> vector<1024x256xf32>
    %convert_element_type3A_97 = arith.truncf %dot_general3A_96 : vector<1024x256xf32> to vector<1024x256xbf16>
    %concatenate3A_98 = tpu.concatenate %convert_element_type3A_84, %convert_element_type3A_90, %convert_element_type3A_97 in 1 : vector<1024x120xbf16>, vector<1024x216xbf16>, vector<1024x256xbf16> -> vector<1024x592xbf16>
    %slice3A_99 = vector.extract_strided_slice %convert_element_type3A_45 {offsets = [0, 0], sizes = [1024, 1024], strides = [1, 1]} : vector<1024x3456xbf16> to vector<1024x1024xbf16>
    %slice3A_100 = vector.extract_strided_slice %concatenate3A_98 {offsets = [0, 0], sizes = [1024, 32], strides = [1, 1]} : vector<1024x592xbf16> to vector<1024x32xbf16>
    %get3A_101 = arith.constant 0 : index
    %get3A_102 = arith.constant 0 : index
    %get3A_103 = vector.load %arg14[%get3A_101, %get3A_102] : memref<32x1024xbf16, #tpu.memory_space<vmem>>, vector<32x1024xbf16>
    %dot_general3A_104 = arith.constant dense<0.000000e+00> : vector<1024x1024xf32>
    %dot_general3A_105 = tpu.matmul %slice3A_100, %get3A_103, %dot_general3A_104 {dimension_numbers = #tpu.dot_dimension_numbers<[1], [0], [0], [1], [0, 0, 1, 1], [], []>, transpose_lhs_hint = false} : vector<1024x32xbf16>, vector<32x1024xbf16>, vector<1024x1024xf32> -> vector<1024x1024xf32>
    %convert_element_type3A_106 = arith.extf %slice3A_99 : vector<1024x1024xbf16> to vector<1024x1024xf32>
    %mul3A_107 = arith.mulf %convert_element_type3A_106, %dot_general3A_105 : vector<1024x1024xf32>
    %convert_element_type3A_108 = arith.truncf %mul3A_107 : vector<1024x1024xf32> to vector<1024x1024xbf16>
    %get3A_109 = arith.constant 0 : index
    %get3A_110 = arith.constant 0 : index
    %get3A_111 = vector.load %arg15[%get3A_109, %get3A_110] : memref<1024x32xbf16, #tpu.memory_space<vmem>>, vector<1024x32xbf16>
    %dot_general3A_112 = arith.constant dense<0.000000e+00> : vector<1024x32xf32>
    %dot_general3A_113 = tpu.matmul %convert_element_type3A_108, %get3A_111, %dot_general3A_112 {dimension_numbers = #tpu.dot_dimension_numbers<[1], [0], [0], [1], [0, 0, 1, 1], [], []>, transpose_lhs_hint = false} : vector<1024x1024xbf16>, vector<1024x32xbf16>, vector<1024x32xf32> -> vector<1024x32xf32>
    %slice3A_114 = vector.extract_strided_slice %convert_element_type3A_45 {offsets = [0, 1024], sizes = [1024, 512], strides = [1, 1]} : vector<1024x3456xbf16> to vector<1024x512xbf16>
    %slice3A_115 = vector.extract_strided_slice %concatenate3A_98 {offsets = [0, 120], sizes = [1024, 32], strides = [1, 1]} : vector<1024x592xbf16> to vector<1024x32xbf16>
    %get3A_116 = arith.constant 0 : index
    %get3A_117 = arith.constant 0 : index
    %get3A_118 = vector.load %arg16[%get3A_116, %get3A_117] : memref<32x512xbf16, #tpu.memory_space<vmem>>, vector<32x512xbf16>
    %dot_general3A_119 = arith.constant dense<0.000000e+00> : vector<1024x512xf32>
    %dot_general3A_120 = tpu.matmul %slice3A_115, %get3A_118, %dot_general3A_119 {dimension_numbers = #tpu.dot_dimension_numbers<[1], [0], [0], [1], [0, 0, 1, 1], [], []>, transpose_lhs_hint = false} : vector<1024x32xbf16>, vector<32x512xbf16>, vector<1024x512xf32> -> vector<1024x512xf32>
    %convert_element_type3A_121 = arith.extf %slice3A_114 : vector<1024x512xbf16> to vector<1024x512xf32>
    %mul3A_122 = arith.mulf %convert_element_type3A_121, %dot_general3A_120 : vector<1024x512xf32>
    %convert_element_type3A_123 = arith.truncf %mul3A_122 : vector<1024x512xf32> to vector<1024x512xbf16>
    %get3A_124 = arith.constant 0 : index
    %get3A_125 = arith.constant 0 : index
    %get3A_126 = vector.load %arg17[%get3A_124, %get3A_125] : memref<512x16xbf16, #tpu.memory_space<vmem>>, vector<512x16xbf16>
    %dot_general3A_127 = arith.constant dense<0.000000e+00> : vector<1024x16xf32>
    %dot_general3A_128 = tpu.matmul %convert_element_type3A_123, %get3A_126, %dot_general3A_127 {dimension_numbers = #tpu.dot_dimension_numbers<[1], [0], [0], [1], [0, 0, 1, 1], [], []>, transpose_lhs_hint = false} : vector<1024x512xbf16>, vector<512x16xbf16>, vector<1024x16xf32> -> vector<1024x16xf32>
    %slice3A_129 = vector.extract_strided_slice %concatenate3A_98 {offsets = [0, 152], sizes = [1024, 32], strides = [1, 1]} : vector<1024x592xbf16> to vector<1024x32xbf16>
    %get3A_130 = arith.constant 0 : index
    %get3A_131 = arith.constant 0 : index
    %get3A_132 = vector.load %arg16[%get3A_130, %get3A_131] : memref<32x512xbf16, #tpu.memory_space<vmem>>, vector<32x512xbf16>
    %dot_general3A_133 = arith.constant dense<0.000000e+00> : vector<1024x512xf32>
    %dot_general3A_134 = tpu.matmul %slice3A_129, %get3A_132, %dot_general3A_133 {dimension_numbers = #tpu.dot_dimension_numbers<[1], [0], [0], [1], [0, 0, 1, 1], [], []>, transpose_lhs_hint = false} : vector<1024x32xbf16>, vector<32x512xbf16>, vector<1024x512xf32> -> vector<1024x512xf32>
    %convert_element_type3A_135 = arith.extf %slice3A_114 : vector<1024x512xbf16> to vector<1024x512xf32>
    %mul3A_136 = arith.mulf %convert_element_type3A_135, %dot_general3A_134 : vector<1024x512xf32>
    %convert_element_type3A_137 = arith.truncf %mul3A_136 : vector<1024x512xf32> to vector<1024x512xbf16>
    %get3A_138 = arith.constant 0 : index
    %get3A_139 = arith.constant 0 : index
    %get3A_140 = vector.load %arg17[%get3A_138, %get3A_139] : memref<512x16xbf16, #tpu.memory_space<vmem>>, vector<512x16xbf16>
    %dot_general3A_141 = arith.constant dense<0.000000e+00> : vector<1024x16xf32>
    %dot_general3A_142 = tpu.matmul %convert_element_type3A_137, %get3A_140, %dot_general3A_141 {dimension_numbers = #tpu.dot_dimension_numbers<[1], [0], [0], [1], [0, 0, 1, 1], [], []>, transpose_lhs_hint = false} : vector<1024x512xbf16>, vector<512x16xbf16>, vector<1024x16xf32> -> vector<1024x16xf32>
    %slice3A_143 = vector.extract_strided_slice %concatenate3A_98 {offsets = [0, 184], sizes = [1024, 32], strides = [1, 1]} : vector<1024x592xbf16> to vector<1024x32xbf16>
    %get3A_144 = arith.constant 0 : index
    %get3A_145 = arith.constant 0 : index
    %get3A_146 = vector.load %arg16[%get3A_144, %get3A_145] : memref<32x512xbf16, #tpu.memory_space<vmem>>, vector<32x512xbf16>
    %dot_general3A_147 = arith.constant dense<0.000000e+00> : vector<1024x512xf32>
    %dot_general3A_148 = tpu.matmul %slice3A_143, %get3A_146, %dot_general3A_147 {dimension_numbers = #tpu.dot_dimension_numbers<[1], [0], [0], [1], [0, 0, 1, 1], [], []>, transpose_lhs_hint = false} : vector<1024x32xbf16>, vector<32x512xbf16>, vector<1024x512xf32> -> vector<1024x512xf32>
    %convert_element_type3A_149 = arith.extf %slice3A_114 : vector<1024x512xbf16> to vector<1024x512xf32>
    %mul3A_150 = arith.mulf %convert_element_type3A_149, %dot_general3A_148 : vector<1024x512xf32>
    %convert_element_type3A_151 = arith.truncf %mul3A_150 : vector<1024x512xf32> to vector<1024x512xbf16>
    %get3A_152 = arith.constant 0 : index
    %get3A_153 = arith.constant 0 : index
    %get3A_154 = vector.load %arg17[%get3A_152, %get3A_153] : memref<512x16xbf16, #tpu.memory_space<vmem>>, vector<512x16xbf16>
    %dot_general3A_155 = arith.constant dense<0.000000e+00> : vector<1024x16xf32>
    %dot_general3A_156 = tpu.matmul %convert_element_type3A_151, %get3A_154, %dot_general3A_155 {dimension_numbers = #tpu.dot_dimension_numbers<[1], [0], [0], [1], [0, 0, 1, 1], [], []>, transpose_lhs_hint = false} : vector<1024x512xbf16>, vector<512x16xbf16>, vector<1024x16xf32> -> vector<1024x16xf32>
    %slice3A_157 = vector.extract_strided_slice %convert_element_type3A_45 {offsets = [0, 1536], sizes = [1024, 256], strides = [1, 1]} : vector<1024x3456xbf16> to vector<1024x256xbf16>
    %slice3A_158 = vector.extract_strided_slice %concatenate3A_98 {offsets = [0, 336], sizes = [1024, 32], strides = [1, 1]} : vector<1024x592xbf16> to vector<1024x32xbf16>
    %get3A_159 = arith.constant 0 : index
    %get3A_160 = arith.constant 0 : index
    %get3A_161 = vector.load %arg18[%get3A_159, %get3A_160] : memref<32x256xbf16, #tpu.memory_space<vmem>>, vector<32x256xbf16>
    %dot_general3A_162 = arith.constant dense<0.000000e+00> : vector<1024x256xf32>
    %dot_general3A_163 = tpu.matmul %slice3A_158, %get3A_161, %dot_general3A_162 {dimension_numbers = #tpu.dot_dimension_numbers<[1], [0], [0], [1], [0, 0, 1, 1], [], []>, transpose_lhs_hint = false} : vector<1024x32xbf16>, vector<32x256xbf16>, vector<1024x256xf32> -> vector<1024x256xf32>
    %convert_element_type3A_164 = arith.extf %slice3A_157 : vector<1024x256xbf16> to vector<1024x256xf32>
    %mul3A_165 = arith.mulf %convert_element_type3A_164, %dot_general3A_163 : vector<1024x256xf32>
    %convert_element_type3A_166 = arith.truncf %mul3A_165 : vector<1024x256xf32> to vector<1024x256xbf16>
    %get3A_167 = arith.constant 0 : index
    %get3A_168 = arith.constant 0 : index
    %get3A_169 = vector.load %arg19[%get3A_167, %get3A_168] : memref<256x8xbf16, #tpu.memory_space<vmem>>, vector<256x8xbf16>
    %dot_general3A_170 = arith.constant dense<0.000000e+00> : vector<1024x8xf32>
    %dot_general3A_171 = tpu.matmul %convert_element_type3A_166, %get3A_169, %dot_general3A_170 {dimension_numbers = #tpu.dot_dimension_numbers<[1], [0], [0], [1], [0, 0, 1, 1], [], []>, transpose_lhs_hint = false} : vector<1024x256xbf16>, vector<256x8xbf16>, vector<1024x8xf32> -> vector<1024x8xf32>
    %slice3A_172 = vector.extract_strided_slice %concatenate3A_98 {offsets = [0, 368], sizes = [1024, 32], strides = [1, 1]} : vector<1024x592xbf16> to vector<1024x32xbf16>
    %get3A_173 = arith.constant 0 : index
    %get3A_174 = arith.constant 0 : index
    %get3A_175 = vector.load %arg18[%get3A_173, %get3A_174] : memref<32x256xbf16, #tpu.memory_space<vmem>>, vector<32x256xbf16>
    %dot_general3A_176 = arith.constant dense<0.000000e+00> : vector<1024x256xf32>
    %dot_general3A_177 = tpu.matmul %slice3A_172, %get3A_175, %dot_general3A_176 {dimension_numbers = #tpu.dot_dimension_numbers<[1], [0], [0], [1], [0, 0, 1, 1], [], []>, transpose_lhs_hint = false} : vector<1024x32xbf16>, vector<32x256xbf16>, vector<1024x256xf32> -> vector<1024x256xf32>
    %convert_element_type3A_178 = arith.extf %slice3A_157 : vector<1024x256xbf16> to vector<1024x256xf32>
    %mul3A_179 = arith.mulf %convert_element_type3A_178, %dot_general3A_177 : vector<1024x256xf32>
    %convert_element_type3A_180 = arith.truncf %mul3A_179 : vector<1024x256xf32> to vector<1024x256xbf16>
    %get3A_181 = arith.constant 0 : index
    %get3A_182 = arith.constant 0 : index
    %get3A_183 = vector.load %arg19[%get3A_181, %get3A_182] : memref<256x8xbf16, #tpu.memory_space<vmem>>, vector<256x8xbf16>
    %dot_general3A_184 = arith.constant dense<0.000000e+00> : vector<1024x8xf32>
    %dot_general3A_185 = tpu.matmul %convert_element_type3A_180, %get3A_183, %dot_general3A_184 {dimension_numbers = #tpu.dot_dimension_numbers<[1], [0], [0], [1], [0, 0, 1, 1], [], []>, transpose_lhs_hint = false} : vector<1024x256xbf16>, vector<256x8xbf16>, vector<1024x8xf32> -> vector<1024x8xf32>
    %slice3A_186 = vector.extract_strided_slice %concatenate3A_98 {offsets = [0, 400], sizes = [1024, 32], strides = [1, 1]} : vector<1024x592xbf16> to vector<1024x32xbf16>
    %get3A_187 = arith.constant 0 : index
    %get3A_188 = arith.constant 0 : index
    %get3A_189 = vector.load %arg18[%get3A_187, %get3A_188] : memref<32x256xbf16, #tpu.memory_space<vmem>>, vector<32x256xbf16>
    %dot_general3A_190 = arith.constant dense<0.000000e+00> : vector<1024x256xf32>
    %dot_general3A_191 = tpu.matmul %slice3A_186, %get3A_189, %dot_general3A_190 {dimension_numbers = #tpu.dot_dimension_numbers<[1], [0], [0], [1], [0, 0, 1, 1], [], []>, transpose_lhs_hint = false} : vector<1024x32xbf16>, vector<32x256xbf16>, vector<1024x256xf32> -> vector<1024x256xf32>
    %convert_element_type3A_192 = arith.extf %slice3A_157 : vector<1024x256xbf16> to vector<1024x256xf32>
    %mul3A_193 = arith.mulf %convert_element_type3A_192, %dot_general3A_191 : vector<1024x256xf32>
    %convert_element_type3A_194 = arith.truncf %mul3A_193 : vector<1024x256xf32> to vector<1024x256xbf16>
    %get3A_195 = arith.constant 0 : index
    %get3A_196 = arith.constant 0 : index
    %get3A_197 = vector.load %arg19[%get3A_195, %get3A_196] : memref<256x8xbf16, #tpu.memory_space<vmem>>, vector<256x8xbf16>
    %dot_general3A_198 = arith.constant dense<0.000000e+00> : vector<1024x8xf32>
    %dot_general3A_199 = tpu.matmul %convert_element_type3A_194, %get3A_197, %dot_general3A_198 {dimension_numbers = #tpu.dot_dimension_numbers<[1], [0], [0], [1], [0, 0, 1, 1], [], []>, transpose_lhs_hint = false} : vector<1024x256xbf16>, vector<256x8xbf16>, vector<1024x8xf32> -> vector<1024x8xf32>
    %slice3A_200 = vector.extract_strided_slice %concatenate3A_98 {offsets = [0, 432], sizes = [1024, 32], strides = [1, 1]} : vector<1024x592xbf16> to vector<1024x32xbf16>
    %get3A_201 = arith.constant 0 : index
    %get3A_202 = arith.constant 0 : index
    %get3A_203 = vector.load %arg18[%get3A_201, %get3A_202] : memref<32x256xbf16, #tpu.memory_space<vmem>>, vector<32x256xbf16>
    %dot_general3A_204 = arith.constant dense<0.000000e+00> : vector<1024x256xf32>
    %dot_general3A_205 = tpu.matmul %slice3A_200, %get3A_203, %dot_general3A_204 {dimension_numbers = #tpu.dot_dimension_numbers<[1], [0], [0], [1], [0, 0, 1, 1], [], []>, transpose_lhs_hint = false} : vector<1024x32xbf16>, vector<32x256xbf16>, vector<1024x256xf32> -> vector<1024x256xf32>
    %convert_element_type3A_206 = arith.extf %slice3A_157 : vector<1024x256xbf16> to vector<1024x256xf32>
    %mul3A_207 = arith.mulf %convert_element_type3A_206, %dot_general3A_205 : vector<1024x256xf32>
    %convert_element_type3A_208 = arith.truncf %mul3A_207 : vector<1024x256xf32> to vector<1024x256xbf16>
    %get3A_209 = arith.constant 0 : index
    %get3A_210 = arith.constant 0 : index
    %get3A_211 = vector.load %arg19[%get3A_209, %get3A_210] : memref<256x8xbf16, #tpu.memory_space<vmem>>, vector<256x8xbf16>
    %dot_general3A_212 = arith.constant dense<0.000000e+00> : vector<1024x8xf32>
    %dot_general3A_213 = tpu.matmul %convert_element_type3A_208, %get3A_211, %dot_general3A_212 {dimension_numbers = #tpu.dot_dimension_numbers<[1], [0], [0], [1], [0, 0, 1, 1], [], []>, transpose_lhs_hint = false} : vector<1024x256xbf16>, vector<256x8xbf16>, vector<1024x8xf32> -> vector<1024x8xf32>
    %slice3A_214 = vector.extract_strided_slice %concatenate3A_98 {offsets = [0, 464], sizes = [1024, 32], strides = [1, 1]} : vector<1024x592xbf16> to vector<1024x32xbf16>
    %get3A_215 = arith.constant 0 : index
    %get3A_216 = arith.constant 0 : index
    %get3A_217 = vector.load %arg18[%get3A_215, %get3A_216] : memref<32x256xbf16, #tpu.memory_space<vmem>>, vector<32x256xbf16>
    %dot_general3A_218 = arith.constant dense<0.000000e+00> : vector<1024x256xf32>
    %dot_general3A_219 = tpu.matmul %slice3A_214, %get3A_217, %dot_general3A_218 {dimension_numbers = #tpu.dot_dimension_numbers<[1], [0], [0], [1], [0, 0, 1, 1], [], []>, transpose_lhs_hint = false} : vector<1024x32xbf16>, vector<32x256xbf16>, vector<1024x256xf32> -> vector<1024x256xf32>
    %convert_element_type3A_220 = arith.extf %slice3A_157 : vector<1024x256xbf16> to vector<1024x256xf32>
    %mul3A_221 = arith.mulf %convert_element_type3A_220, %dot_general3A_219 : vector<1024x256xf32>
    %convert_element_type3A_222 = arith.truncf %mul3A_221 : vector<1024x256xf32> to vector<1024x256xbf16>
    %get3A_223 = arith.constant 0 : index
    %get3A_224 = arith.constant 0 : index
    %get3A_225 = vector.load %arg19[%get3A_223, %get3A_224] : memref<256x8xbf16, #tpu.memory_space<vmem>>, vector<256x8xbf16>
    %dot_general3A_226 = arith.constant dense<0.000000e+00> : vector<1024x8xf32>
    %dot_general3A_227 = tpu.matmul %convert_element_type3A_222, %get3A_225, %dot_general3A_226 {dimension_numbers = #tpu.dot_dimension_numbers<[1], [0], [0], [1], [0, 0, 1, 1], [], []>, transpose_lhs_hint = false} : vector<1024x256xbf16>, vector<256x8xbf16>, vector<1024x8xf32> -> vector<1024x8xf32>
    %slice3A_228 = vector.extract_strided_slice %convert_element_type3A_45 {offsets = [0, 1792], sizes = [1024, 256], strides = [1, 1]} : vector<1024x3456xbf16> to vector<1024x256xbf16>
    %slice3A_229 = vector.extract_strided_slice %concatenate3A_98 {offsets = [0, 32], sizes = [1024, 16], strides = [1, 1]} : vector<1024x592xbf16> to vector<1024x16xbf16>
    %get3A_230 = arith.constant 0 : index
    %get3A_231 = arith.constant 0 : index
    %get3A_232 = vector.load %arg20[%get3A_230, %get3A_231] : memref<16x256xbf16, #tpu.memory_space<vmem>>, vector<16x256xbf16>
    %dot_general3A_233 = arith.constant dense<0.000000e+00> : vector<1024x256xf32>
    %dot_general3A_234 = tpu.matmul %slice3A_229, %get3A_232, %dot_general3A_233 {dimension_numbers = #tpu.dot_dimension_numbers<[1], [0], [0], [1], [0, 0, 1, 1], [], []>, transpose_lhs_hint = false} : vector<1024x16xbf16>, vector<16x256xbf16>, vector<1024x256xf32> -> vector<1024x256xf32>
    %convert_element_type3A_235 = arith.extf %slice3A_228 : vector<1024x256xbf16> to vector<1024x256xf32>
    %mul3A_236 = arith.mulf %convert_element_type3A_235, %dot_general3A_234 : vector<1024x256xf32>
    %convert_element_type3A_237 = arith.truncf %mul3A_236 : vector<1024x256xf32> to vector<1024x256xbf16>
    %get3A_238 = arith.constant 0 : index
    %get3A_239 = arith.constant 0 : index
    %get3A_240 = vector.load %arg21[%get3A_238, %get3A_239] : memref<256x16xbf16, #tpu.memory_space<vmem>>, vector<256x16xbf16>
    %dot_general3A_241 = arith.constant dense<0.000000e+00> : vector<1024x16xf32>
    %dot_general3A_242 = tpu.matmul %convert_element_type3A_237, %get3A_240, %dot_general3A_241 {dimension_numbers = #tpu.dot_dimension_numbers<[1], [0], [0], [1], [0, 0, 1, 1], [], []>, transpose_lhs_hint = false} : vector<1024x256xbf16>, vector<256x16xbf16>, vector<1024x16xf32> -> vector<1024x16xf32>
    %add3A_243 = arith.addf %dot_general3A_128, %dot_general3A_242 : vector<1024x16xf32>
    %slice3A_244 = vector.extract_strided_slice %concatenate3A_98 {offsets = [0, 48], sizes = [1024, 16], strides = [1, 1]} : vector<1024x592xbf16> to vector<1024x16xbf16>
    %get3A_245 = arith.constant 0 : index
    %get3A_246 = arith.constant 0 : index
    %get3A_247 = vector.load %arg20[%get3A_245, %get3A_246] : memref<16x256xbf16, #tpu.memory_space<vmem>>, vector<16x256xbf16>
    %dot_general3A_248 = arith.constant dense<0.000000e+00> : vector<1024x256xf32>
    %dot_general3A_249 = tpu.matmul %slice3A_244, %get3A_247, %dot_general3A_248 {dimension_numbers = #tpu.dot_dimension_numbers<[1], [0], [0], [1], [0, 0, 1, 1], [], []>, transpose_lhs_hint = false} : vector<1024x16xbf16>, vector<16x256xbf16>, vector<1024x256xf32> -> vector<1024x256xf32>
    %convert_element_type3A_250 = arith.extf %slice3A_228 : vector<1024x256xbf16> to vector<1024x256xf32>
    %mul3A_251 = arith.mulf %convert_element_type3A_250, %dot_general3A_249 : vector<1024x256xf32>
    %convert_element_type3A_252 = arith.truncf %mul3A_251 : vector<1024x256xf32> to vector<1024x256xbf16>
    %get3A_253 = arith.constant 0 : index
    %get3A_254 = arith.constant 0 : index
    %get3A_255 = vector.load %arg21[%get3A_253, %get3A_254] : memref<256x16xbf16, #tpu.memory_space<vmem>>, vector<256x16xbf16>
    %dot_general3A_256 = arith.constant dense<0.000000e+00> : vector<1024x16xf32>
    %dot_general3A_257 = tpu.matmul %convert_element_type3A_252, %get3A_255, %dot_general3A_256 {dimension_numbers = #tpu.dot_dimension_numbers<[1], [0], [0], [1], [0, 0, 1, 1], [], []>, transpose_lhs_hint = false} : vector<1024x256xbf16>, vector<256x16xbf16>, vector<1024x16xf32> -> vector<1024x16xf32>
    %add3A_258 = arith.addf %dot_general3A_142, %dot_general3A_257 : vector<1024x16xf32>
    %slice3A_259 = vector.extract_strided_slice %concatenate3A_98 {offsets = [0, 64], sizes = [1024, 16], strides = [1, 1]} : vector<1024x592xbf16> to vector<1024x16xbf16>
    %get3A_260 = arith.constant 0 : index
    %get3A_261 = arith.constant 0 : index
    %get3A_262 = vector.load %arg20[%get3A_260, %get3A_261] : memref<16x256xbf16, #tpu.memory_space<vmem>>, vector<16x256xbf16>
    %dot_general3A_263 = arith.constant dense<0.000000e+00> : vector<1024x256xf32>
    %dot_general3A_264 = tpu.matmul %slice3A_259, %get3A_262, %dot_general3A_263 {dimension_numbers = #tpu.dot_dimension_numbers<[1], [0], [0], [1], [0, 0, 1, 1], [], []>, transpose_lhs_hint = false} : vector<1024x16xbf16>, vector<16x256xbf16>, vector<1024x256xf32> -> vector<1024x256xf32>
    %convert_element_type3A_265 = arith.extf %slice3A_228 : vector<1024x256xbf16> to vector<1024x256xf32>
    %mul3A_266 = arith.mulf %convert_element_type3A_265, %dot_general3A_264 : vector<1024x256xf32>
    %convert_element_type3A_267 = arith.truncf %mul3A_266 : vector<1024x256xf32> to vector<1024x256xbf16>
    %get3A_268 = arith.constant 0 : index
    %get3A_269 = arith.constant 0 : index
    %get3A_270 = vector.load %arg21[%get3A_268, %get3A_269] : memref<256x16xbf16, #tpu.memory_space<vmem>>, vector<256x16xbf16>
    %dot_general3A_271 = arith.constant dense<0.000000e+00> : vector<1024x16xf32>
    %dot_general3A_272 = tpu.matmul %convert_element_type3A_267, %get3A_270, %dot_general3A_271 {dimension_numbers = #tpu.dot_dimension_numbers<[1], [0], [0], [1], [0, 0, 1, 1], [], []>, transpose_lhs_hint = false} : vector<1024x256xbf16>, vector<256x16xbf16>, vector<1024x16xf32> -> vector<1024x16xf32>
    %add3A_273 = arith.addf %dot_general3A_156, %dot_general3A_272 : vector<1024x16xf32>
    %slice3A_274 = vector.extract_strided_slice %convert_element_type3A_45 {offsets = [0, 2048], sizes = [1024, 512], strides = [1, 1]} : vector<1024x3456xbf16> to vector<1024x512xbf16>
    %slice3A_275 = vector.extract_strided_slice %concatenate3A_98 {offsets = [0, 216], sizes = [1024, 16], strides = [1, 1]} : vector<1024x592xbf16> to vector<1024x16xbf16>
    %get3A_276 = arith.constant 0 : index
    %get3A_277 = arith.constant 0 : index
    %get3A_278 = vector.load %arg22[%get3A_276, %get3A_277] : memref<16x512xbf16, #tpu.memory_space<vmem>>, vector<16x512xbf16>
    %dot_general3A_279 = arith.constant dense<0.000000e+00> : vector<1024x512xf32>
    %dot_general3A_280 = tpu.matmul %slice3A_275, %get3A_278, %dot_general3A_279 {dimension_numbers = #tpu.dot_dimension_numbers<[1], [0], [0], [1], [0, 0, 1, 1], [], []>, transpose_lhs_hint = false} : vector<1024x16xbf16>, vector<16x512xbf16>, vector<1024x512xf32> -> vector<1024x512xf32>
    %convert_element_type3A_281 = arith.extf %slice3A_274 : vector<1024x512xbf16> to vector<1024x512xf32>
    %mul3A_282 = arith.mulf %convert_element_type3A_281, %dot_general3A_280 : vector<1024x512xf32>
    %convert_element_type3A_283 = arith.truncf %mul3A_282 : vector<1024x512xf32> to vector<1024x512xbf16>
    %get3A_284 = arith.constant 0 : index
    %get3A_285 = arith.constant 0 : index
    %get3A_286 = vector.load %arg23[%get3A_284, %get3A_285] : memref<512x32xbf16, #tpu.memory_space<vmem>>, vector<512x32xbf16>
    %dot_general3A_287 = arith.constant dense<0.000000e+00> : vector<1024x32xf32>
    %dot_general3A_288 = tpu.matmul %convert_element_type3A_283, %get3A_286, %dot_general3A_287 {dimension_numbers = #tpu.dot_dimension_numbers<[1], [0], [0], [1], [0, 0, 1, 1], [], []>, transpose_lhs_hint = false} : vector<1024x512xbf16>, vector<512x32xbf16>, vector<1024x32xf32> -> vector<1024x32xf32>
    %add3A_289 = arith.addf %dot_general3A_113, %dot_general3A_288 : vector<1024x32xf32>
    %slice3A_290 = vector.extract_strided_slice %convert_element_type3A_45 {offsets = [0, 2560], sizes = [1024, 128], strides = [1, 1]} : vector<1024x3456xbf16> to vector<1024x128xbf16>
    %slice3A_291 = vector.extract_strided_slice %concatenate3A_98 {offsets = [0, 232], sizes = [1024, 16], strides = [1, 1]} : vector<1024x592xbf16> to vector<1024x16xbf16>
    %get3A_292 = arith.constant 0 : index
    %get3A_293 = arith.constant 0 : index
    %get3A_294 = vector.load %arg24[%get3A_292, %get3A_293] : memref<16x128xbf16, #tpu.memory_space<vmem>>, vector<16x128xbf16>
    %dot_general3A_295 = arith.constant dense<0.000000e+00> : vector<1024x128xf32>
    %dot_general3A_296 = tpu.matmul %slice3A_291, %get3A_294, %dot_general3A_295 {dimension_numbers = #tpu.dot_dimension_numbers<[1], [0], [0], [1], [0, 0, 1, 1], [], []>, transpose_lhs_hint = false} : vector<1024x16xbf16>, vector<16x128xbf16>, vector<1024x128xf32> -> vector<1024x128xf32>
    %convert_element_type3A_297 = arith.extf %slice3A_290 : vector<1024x128xbf16> to vector<1024x128xf32>
    %mul3A_298 = arith.mulf %convert_element_type3A_297, %dot_general3A_296 : vector<1024x128xf32>
    %convert_element_type3A_299 = arith.truncf %mul3A_298 : vector<1024x128xf32> to vector<1024x128xbf16>
    %get3A_300 = arith.constant 0 : index
    %get3A_301 = arith.constant 0 : index
    %get3A_302 = vector.load %arg25[%get3A_300, %get3A_301] : memref<128x8xbf16, #tpu.memory_space<vmem>>, vector<128x8xbf16>
    %dot_general3A_303 = arith.constant dense<0.000000e+00> : vector<1024x8xf32>
    %dot_general3A_304 = tpu.matmul %convert_element_type3A_299, %get3A_302, %dot_general3A_303 {dimension_numbers = #tpu.dot_dimension_numbers<[1], [0], [0], [1], [0, 0, 1, 1], [], []>, transpose_lhs_hint = false} : vector<1024x128xbf16>, vector<128x8xbf16>, vector<1024x8xf32> -> vector<1024x8xf32>
    %add3A_305 = arith.addf %dot_general3A_171, %dot_general3A_304 : vector<1024x8xf32>
    %slice3A_306 = vector.extract_strided_slice %concatenate3A_98 {offsets = [0, 248], sizes = [1024, 16], strides = [1, 1]} : vector<1024x592xbf16> to vector<1024x16xbf16>
    %get3A_307 = arith.constant 0 : index
    %get3A_308 = arith.constant 0 : index
    %get3A_309 = vector.load %arg24[%get3A_307, %get3A_308] : memref<16x128xbf16, #tpu.memory_space<vmem>>, vector<16x128xbf16>
    %dot_general3A_310 = arith.constant dense<0.000000e+00> : vector<1024x128xf32>
    %dot_general3A_311 = tpu.matmul %slice3A_306, %get3A_309, %dot_general3A_310 {dimension_numbers = #tpu.dot_dimension_numbers<[1], [0], [0], [1], [0, 0, 1, 1], [], []>, transpose_lhs_hint = false} : vector<1024x16xbf16>, vector<16x128xbf16>, vector<1024x128xf32> -> vector<1024x128xf32>
    %convert_element_type3A_312 = arith.extf %slice3A_290 : vector<1024x128xbf16> to vector<1024x128xf32>
    %mul3A_313 = arith.mulf %convert_element_type3A_312, %dot_general3A_311 : vector<1024x128xf32>
    %convert_element_type3A_314 = arith.truncf %mul3A_313 : vector<1024x128xf32> to vector<1024x128xbf16>
    %get3A_315 = arith.constant 0 : index
    %get3A_316 = arith.constant 0 : index
    %get3A_317 = vector.load %arg25[%get3A_315, %get3A_316] : memref<128x8xbf16, #tpu.memory_space<vmem>>, vector<128x8xbf16>
    %dot_general3A_318 = arith.constant dense<0.000000e+00> : vector<1024x8xf32>
    %dot_general3A_319 = tpu.matmul %convert_element_type3A_314, %get3A_317, %dot_general3A_318 {dimension_numbers = #tpu.dot_dimension_numbers<[1], [0], [0], [1], [0, 0, 1, 1], [], []>, transpose_lhs_hint = false} : vector<1024x128xbf16>, vector<128x8xbf16>, vector<1024x8xf32> -> vector<1024x8xf32>
    %add3A_320 = arith.addf %dot_general3A_185, %dot_general3A_319 : vector<1024x8xf32>
    %slice3A_321 = vector.extract_strided_slice %concatenate3A_98 {offsets = [0, 264], sizes = [1024, 16], strides = [1, 1]} : vector<1024x592xbf16> to vector<1024x16xbf16>
    %get3A_322 = arith.constant 0 : index
    %get3A_323 = arith.constant 0 : index
    %get3A_324 = vector.load %arg24[%get3A_322, %get3A_323] : memref<16x128xbf16, #tpu.memory_space<vmem>>, vector<16x128xbf16>
    %dot_general3A_325 = arith.constant dense<0.000000e+00> : vector<1024x128xf32>
    %dot_general3A_326 = tpu.matmul %slice3A_321, %get3A_324, %dot_general3A_325 {dimension_numbers = #tpu.dot_dimension_numbers<[1], [0], [0], [1], [0, 0, 1, 1], [], []>, transpose_lhs_hint = false} : vector<1024x16xbf16>, vector<16x128xbf16>, vector<1024x128xf32> -> vector<1024x128xf32>
    %convert_element_type3A_327 = arith.extf %slice3A_290 : vector<1024x128xbf16> to vector<1024x128xf32>
    %mul3A_328 = arith.mulf %convert_element_type3A_327, %dot_general3A_326 : vector<1024x128xf32>
    %convert_element_type3A_329 = arith.truncf %mul3A_328 : vector<1024x128xf32> to vector<1024x128xbf16>
    %get3A_330 = arith.constant 0 : index
    %get3A_331 = arith.constant 0 : index
    %get3A_332 = vector.load %arg25[%get3A_330, %get3A_331] : memref<128x8xbf16, #tpu.memory_space<vmem>>, vector<128x8xbf16>
    %dot_general3A_333 = arith.constant dense<0.000000e+00> : vector<1024x8xf32>
    %dot_general3A_334 = tpu.matmul %convert_element_type3A_329, %get3A_332, %dot_general3A_333 {dimension_numbers = #tpu.dot_dimension_numbers<[1], [0], [0], [1], [0, 0, 1, 1], [], []>, transpose_lhs_hint = false} : vector<1024x128xbf16>, vector<128x8xbf16>, vector<1024x8xf32> -> vector<1024x8xf32>
    %add3A_335 = arith.addf %dot_general3A_199, %dot_general3A_334 : vector<1024x8xf32>
    %slice3A_336 = vector.extract_strided_slice %concatenate3A_98 {offsets = [0, 280], sizes = [1024, 16], strides = [1, 1]} : vector<1024x592xbf16> to vector<1024x16xbf16>
    %get3A_337 = arith.constant 0 : index
    %get3A_338 = arith.constant 0 : index
    %get3A_339 = vector.load %arg24[%get3A_337, %get3A_338] : memref<16x128xbf16, #tpu.memory_space<vmem>>, vector<16x128xbf16>
    %dot_general3A_340 = arith.constant dense<0.000000e+00> : vector<1024x128xf32>
    %dot_general3A_341 = tpu.matmul %slice3A_336, %get3A_339, %dot_general3A_340 {dimension_numbers = #tpu.dot_dimension_numbers<[1], [0], [0], [1], [0, 0, 1, 1], [], []>, transpose_lhs_hint = false} : vector<1024x16xbf16>, vector<16x128xbf16>, vector<1024x128xf32> -> vector<1024x128xf32>
    %convert_element_type3A_342 = arith.extf %slice3A_290 : vector<1024x128xbf16> to vector<1024x128xf32>
    %mul3A_343 = arith.mulf %convert_element_type3A_342, %dot_general3A_341 : vector<1024x128xf32>
    %convert_element_type3A_344 = arith.truncf %mul3A_343 : vector<1024x128xf32> to vector<1024x128xbf16>
    %get3A_345 = arith.constant 0 : index
    %get3A_346 = arith.constant 0 : index
    %get3A_347 = vector.load %arg25[%get3A_345, %get3A_346] : memref<128x8xbf16, #tpu.memory_space<vmem>>, vector<128x8xbf16>
    %dot_general3A_348 = arith.constant dense<0.000000e+00> : vector<1024x8xf32>
    %dot_general3A_349 = tpu.matmul %convert_element_type3A_344, %get3A_347, %dot_general3A_348 {dimension_numbers = #tpu.dot_dimension_numbers<[1], [0], [0], [1], [0, 0, 1, 1], [], []>, transpose_lhs_hint = false} : vector<1024x128xbf16>, vector<128x8xbf16>, vector<1024x8xf32> -> vector<1024x8xf32>
    %add3A_350 = arith.addf %dot_general3A_213, %dot_general3A_349 : vector<1024x8xf32>
    %slice3A_351 = vector.extract_strided_slice %concatenate3A_98 {offsets = [0, 296], sizes = [1024, 16], strides = [1, 1]} : vector<1024x592xbf16> to vector<1024x16xbf16>
    %get3A_352 = arith.constant 0 : index
    %get3A_353 = arith.constant 0 : index
    %get3A_354 = vector.load %arg24[%get3A_352, %get3A_353] : memref<16x128xbf16, #tpu.memory_space<vmem>>, vector<16x128xbf16>
    %dot_general3A_355 = arith.constant dense<0.000000e+00> : vector<1024x128xf32>
    %dot_general3A_356 = tpu.matmul %slice3A_351, %get3A_354, %dot_general3A_355 {dimension_numbers = #tpu.dot_dimension_numbers<[1], [0], [0], [1], [0, 0, 1, 1], [], []>, transpose_lhs_hint = false} : vector<1024x16xbf16>, vector<16x128xbf16>, vector<1024x128xf32> -> vector<1024x128xf32>
    %convert_element_type3A_357 = arith.extf %slice3A_290 : vector<1024x128xbf16> to vector<1024x128xf32>
    %mul3A_358 = arith.mulf %convert_element_type3A_357, %dot_general3A_356 : vector<1024x128xf32>
    %convert_element_type3A_359 = arith.truncf %mul3A_358 : vector<1024x128xf32> to vector<1024x128xbf16>
    %get3A_360 = arith.constant 0 : index
    %get3A_361 = arith.constant 0 : index
    %get3A_362 = vector.load %arg25[%get3A_360, %get3A_361] : memref<128x8xbf16, #tpu.memory_space<vmem>>, vector<128x8xbf16>
    %dot_general3A_363 = arith.constant dense<0.000000e+00> : vector<1024x8xf32>
    %dot_general3A_364 = tpu.matmul %convert_element_type3A_359, %get3A_362, %dot_general3A_363 {dimension_numbers = #tpu.dot_dimension_numbers<[1], [0], [0], [1], [0, 0, 1, 1], [], []>, transpose_lhs_hint = false} : vector<1024x128xbf16>, vector<128x8xbf16>, vector<1024x8xf32> -> vector<1024x8xf32>
    %add3A_365 = arith.addf %dot_general3A_227, %dot_general3A_364 : vector<1024x8xf32>
    %slice3A_366 = vector.extract_strided_slice %convert_element_type3A_45 {offsets = [0, 2688], sizes = [1024, 256], strides = [1, 1]} : vector<1024x3456xbf16> to vector<1024x256xbf16>
    %slice3A_367 = vector.extract_strided_slice %concatenate3A_98 {offsets = [0, 496], sizes = [1024, 16], strides = [1, 1]} : vector<1024x592xbf16> to vector<1024x16xbf16>
    %get3A_368 = arith.constant 0 : index
    %get3A_369 = arith.constant 0 : index
    %get3A_370 = vector.load %arg26[%get3A_368, %get3A_369] : memref<16x256xbf16, #tpu.memory_space<vmem>>, vector<16x256xbf16>
    %dot_general3A_371 = arith.constant dense<0.000000e+00> : vector<1024x256xf32>
    %dot_general3A_372 = tpu.matmul %slice3A_367, %get3A_370, %dot_general3A_371 {dimension_numbers = #tpu.dot_dimension_numbers<[1], [0], [0], [1], [0, 0, 1, 1], [], []>, transpose_lhs_hint = false} : vector<1024x16xbf16>, vector<16x256xbf16>, vector<1024x256xf32> -> vector<1024x256xf32>
    %convert_element_type3A_373 = arith.extf %slice3A_366 : vector<1024x256xbf16> to vector<1024x256xf32>
    %mul3A_374 = arith.mulf %convert_element_type3A_373, %dot_general3A_372 : vector<1024x256xf32>
    %convert_element_type3A_375 = arith.truncf %mul3A_374 : vector<1024x256xf32> to vector<1024x256xbf16>
    %get3A_376 = arith.constant 0 : index
    %get3A_377 = arith.constant 0 : index
    %get3A_378 = vector.load %arg27[%get3A_376, %get3A_377] : memref<256x16xbf16, #tpu.memory_space<vmem>>, vector<256x16xbf16>
    %dot_general3A_379 = arith.constant dense<0.000000e+00> : vector<1024x16xf32>
    %dot_general3A_380 = tpu.matmul %convert_element_type3A_375, %get3A_378, %dot_general3A_379 {dimension_numbers = #tpu.dot_dimension_numbers<[1], [0], [0], [1], [0, 0, 1, 1], [], []>, transpose_lhs_hint = false} : vector<1024x256xbf16>, vector<256x16xbf16>, vector<1024x16xf32> -> vector<1024x16xf32>
    %add3A_381 = arith.addf %add3A_243, %dot_general3A_380 : vector<1024x16xf32>
    %slice3A_382 = vector.extract_strided_slice %concatenate3A_98 {offsets = [0, 512], sizes = [1024, 16], strides = [1, 1]} : vector<1024x592xbf16> to vector<1024x16xbf16>
    %get3A_383 = arith.constant 0 : index
    %get3A_384 = arith.constant 0 : index
    %get3A_385 = vector.load %arg26[%get3A_383, %get3A_384] : memref<16x256xbf16, #tpu.memory_space<vmem>>, vector<16x256xbf16>
    %dot_general3A_386 = arith.constant dense<0.000000e+00> : vector<1024x256xf32>
    %dot_general3A_387 = tpu.matmul %slice3A_382, %get3A_385, %dot_general3A_386 {dimension_numbers = #tpu.dot_dimension_numbers<[1], [0], [0], [1], [0, 0, 1, 1], [], []>, transpose_lhs_hint = false} : vector<1024x16xbf16>, vector<16x256xbf16>, vector<1024x256xf32> -> vector<1024x256xf32>
    %convert_element_type3A_388 = arith.extf %slice3A_366 : vector<1024x256xbf16> to vector<1024x256xf32>
    %mul3A_389 = arith.mulf %convert_element_type3A_388, %dot_general3A_387 : vector<1024x256xf32>
    %convert_element_type3A_390 = arith.truncf %mul3A_389 : vector<1024x256xf32> to vector<1024x256xbf16>
    %get3A_391 = arith.constant 0 : index
    %get3A_392 = arith.constant 0 : index
    %get3A_393 = vector.load %arg27[%get3A_391, %get3A_392] : memref<256x16xbf16, #tpu.memory_space<vmem>>, vector<256x16xbf16>
    %dot_general3A_394 = arith.constant dense<0.000000e+00> : vector<1024x16xf32>
    %dot_general3A_395 = tpu.matmul %convert_element_type3A_390, %get3A_393, %dot_general3A_394 {dimension_numbers = #tpu.dot_dimension_numbers<[1], [0], [0], [1], [0, 0, 1, 1], [], []>, transpose_lhs_hint = false} : vector<1024x256xbf16>, vector<256x16xbf16>, vector<1024x16xf32> -> vector<1024x16xf32>
    %add3A_396 = arith.addf %add3A_258, %dot_general3A_395 : vector<1024x16xf32>
    %slice3A_397 = vector.extract_strided_slice %concatenate3A_98 {offsets = [0, 528], sizes = [1024, 16], strides = [1, 1]} : vector<1024x592xbf16> to vector<1024x16xbf16>
    %get3A_398 = arith.constant 0 : index
    %get3A_399 = arith.constant 0 : index
    %get3A_400 = vector.load %arg26[%get3A_398, %get3A_399] : memref<16x256xbf16, #tpu.memory_space<vmem>>, vector<16x256xbf16>
    %dot_general3A_401 = arith.constant dense<0.000000e+00> : vector<1024x256xf32>
    %dot_general3A_402 = tpu.matmul %slice3A_397, %get3A_400, %dot_general3A_401 {dimension_numbers = #tpu.dot_dimension_numbers<[1], [0], [0], [1], [0, 0, 1, 1], [], []>, transpose_lhs_hint = false} : vector<1024x16xbf16>, vector<16x256xbf16>, vector<1024x256xf32> -> vector<1024x256xf32>
    %convert_element_type3A_403 = arith.extf %slice3A_366 : vector<1024x256xbf16> to vector<1024x256xf32>
    %mul3A_404 = arith.mulf %convert_element_type3A_403, %dot_general3A_402 : vector<1024x256xf32>
    %convert_element_type3A_405 = arith.truncf %mul3A_404 : vector<1024x256xf32> to vector<1024x256xbf16>
    %get3A_406 = arith.constant 0 : index
    %get3A_407 = arith.constant 0 : index
    %get3A_408 = vector.load %arg27[%get3A_406, %get3A_407] : memref<256x16xbf16, #tpu.memory_space<vmem>>, vector<256x16xbf16>
    %dot_general3A_409 = arith.constant dense<0.000000e+00> : vector<1024x16xf32>
    %dot_general3A_410 = tpu.matmul %convert_element_type3A_405, %get3A_408, %dot_general3A_409 {dimension_numbers = #tpu.dot_dimension_numbers<[1], [0], [0], [1], [0, 0, 1, 1], [], []>, transpose_lhs_hint = false} : vector<1024x256xbf16>, vector<256x16xbf16>, vector<1024x16xf32> -> vector<1024x16xf32>
    %add3A_411 = arith.addf %add3A_273, %dot_general3A_410 : vector<1024x16xf32>
    %slice3A_412 = vector.extract_strided_slice %convert_element_type3A_45 {offsets = [0, 2944], sizes = [1024, 64], strides = [1, 1]} : vector<1024x3456xbf16> to vector<1024x64xbf16>
    %slice3A_413 = vector.extract_strided_slice %concatenate3A_98 {offsets = [0, 80], sizes = [1024, 8], strides = [1, 1]} : vector<1024x592xbf16> to vector<1024x8xbf16>
    %get3A_414 = arith.constant 0 : index
    %get3A_415 = arith.constant 0 : index
    %get3A_416 = vector.load %arg28[%get3A_414, %get3A_415] : memref<8x64xbf16, #tpu.memory_space<vmem>>, vector<8x64xbf16>
    %dot_general3A_417 = arith.constant dense<0.000000e+00> : vector<1024x64xf32>
    %dot_general3A_418 = tpu.matmul %slice3A_413, %get3A_416, %dot_general3A_417 {dimension_numbers = #tpu.dot_dimension_numbers<[1], [0], [0], [1], [0, 0, 1, 1], [], []>, transpose_lhs_hint = false} : vector<1024x8xbf16>, vector<8x64xbf16>, vector<1024x64xf32> -> vector<1024x64xf32>
    %convert_element_type3A_419 = arith.extf %slice3A_412 : vector<1024x64xbf16> to vector<1024x64xf32>
    %mul3A_420 = arith.mulf %convert_element_type3A_419, %dot_general3A_418 : vector<1024x64xf32>
    %convert_element_type3A_421 = arith.truncf %mul3A_420 : vector<1024x64xf32> to vector<1024x64xbf16>
    %get3A_422 = arith.constant 0 : index
    %get3A_423 = arith.constant 0 : index
    %get3A_424 = vector.load %arg29[%get3A_422, %get3A_423] : memref<64x8xbf16, #tpu.memory_space<vmem>>, vector<64x8xbf16>
    %dot_general3A_425 = arith.constant dense<0.000000e+00> : vector<1024x8xf32>
    %dot_general3A_426 = tpu.matmul %convert_element_type3A_421, %get3A_424, %dot_general3A_425 {dimension_numbers = #tpu.dot_dimension_numbers<[1], [0], [0], [1], [0, 0, 1, 1], [], []>, transpose_lhs_hint = false} : vector<1024x64xbf16>, vector<64x8xbf16>, vector<1024x8xf32> -> vector<1024x8xf32>
    %add3A_427 = arith.addf %add3A_305, %dot_general3A_426 : vector<1024x8xf32>
    %slice3A_428 = vector.extract_strided_slice %concatenate3A_98 {offsets = [0, 88], sizes = [1024, 8], strides = [1, 1]} : vector<1024x592xbf16> to vector<1024x8xbf16>
    %get3A_429 = arith.constant 0 : index
    %get3A_430 = arith.constant 0 : index
    %get3A_431 = vector.load %arg28[%get3A_429, %get3A_430] : memref<8x64xbf16, #tpu.memory_space<vmem>>, vector<8x64xbf16>
    %dot_general3A_432 = arith.constant dense<0.000000e+00> : vector<1024x64xf32>
    %dot_general3A_433 = tpu.matmul %slice3A_428, %get3A_431, %dot_general3A_432 {dimension_numbers = #tpu.dot_dimension_numbers<[1], [0], [0], [1], [0, 0, 1, 1], [], []>, transpose_lhs_hint = false} : vector<1024x8xbf16>, vector<8x64xbf16>, vector<1024x64xf32> -> vector<1024x64xf32>
    %convert_element_type3A_434 = arith.extf %slice3A_412 : vector<1024x64xbf16> to vector<1024x64xf32>
    %mul3A_435 = arith.mulf %convert_element_type3A_434, %dot_general3A_433 : vector<1024x64xf32>
    %convert_element_type3A_436 = arith.truncf %mul3A_435 : vector<1024x64xf32> to vector<1024x64xbf16>
    %get3A_437 = arith.constant 0 : index
    %get3A_438 = arith.constant 0 : index
    %get3A_439 = vector.load %arg29[%get3A_437, %get3A_438] : memref<64x8xbf16, #tpu.memory_space<vmem>>, vector<64x8xbf16>
    %dot_general3A_440 = arith.constant dense<0.000000e+00> : vector<1024x8xf32>
    %dot_general3A_441 = tpu.matmul %convert_element_type3A_436, %get3A_439, %dot_general3A_440 {dimension_numbers = #tpu.dot_dimension_numbers<[1], [0], [0], [1], [0, 0, 1, 1], [], []>, transpose_lhs_hint = false} : vector<1024x64xbf16>, vector<64x8xbf16>, vector<1024x8xf32> -> vector<1024x8xf32>
    %add3A_442 = arith.addf %add3A_320, %dot_general3A_441 : vector<1024x8xf32>
    %slice3A_443 = vector.extract_strided_slice %concatenate3A_98 {offsets = [0, 96], sizes = [1024, 8], strides = [1, 1]} : vector<1024x592xbf16> to vector<1024x8xbf16>
    %get3A_444 = arith.constant 0 : index
    %get3A_445 = arith.constant 0 : index
    %get3A_446 = vector.load %arg28[%get3A_444, %get3A_445] : memref<8x64xbf16, #tpu.memory_space<vmem>>, vector<8x64xbf16>
    %dot_general3A_447 = arith.constant dense<0.000000e+00> : vector<1024x64xf32>
    %dot_general3A_448 = tpu.matmul %slice3A_443, %get3A_446, %dot_general3A_447 {dimension_numbers = #tpu.dot_dimension_numbers<[1], [0], [0], [1], [0, 0, 1, 1], [], []>, transpose_lhs_hint = false} : vector<1024x8xbf16>, vector<8x64xbf16>, vector<1024x64xf32> -> vector<1024x64xf32>
    %convert_element_type3A_449 = arith.extf %slice3A_412 : vector<1024x64xbf16> to vector<1024x64xf32>
    %mul3A_450 = arith.mulf %convert_element_type3A_449, %dot_general3A_448 : vector<1024x64xf32>
    %convert_element_type3A_451 = arith.truncf %mul3A_450 : vector<1024x64xf32> to vector<1024x64xbf16>
    %get3A_452 = arith.constant 0 : index
    %get3A_453 = arith.constant 0 : index
    %get3A_454 = vector.load %arg29[%get3A_452, %get3A_453] : memref<64x8xbf16, #tpu.memory_space<vmem>>, vector<64x8xbf16>
    %dot_general3A_455 = arith.constant dense<0.000000e+00> : vector<1024x8xf32>
    %dot_general3A_456 = tpu.matmul %convert_element_type3A_451, %get3A_454, %dot_general3A_455 {dimension_numbers = #tpu.dot_dimension_numbers<[1], [0], [0], [1], [0, 0, 1, 1], [], []>, transpose_lhs_hint = false} : vector<1024x64xbf16>, vector<64x8xbf16>, vector<1024x8xf32> -> vector<1024x8xf32>
    %add3A_457 = arith.addf %add3A_335, %dot_general3A_456 : vector<1024x8xf32>
    %slice3A_458 = vector.extract_strided_slice %concatenate3A_98 {offsets = [0, 104], sizes = [1024, 8], strides = [1, 1]} : vector<1024x592xbf16> to vector<1024x8xbf16>
    %get3A_459 = arith.constant 0 : index
    %get3A_460 = arith.constant 0 : index
    %get3A_461 = vector.load %arg28[%get3A_459, %get3A_460] : memref<8x64xbf16, #tpu.memory_space<vmem>>, vector<8x64xbf16>
    %dot_general3A_462 = arith.constant dense<0.000000e+00> : vector<1024x64xf32>
    %dot_general3A_463 = tpu.matmul %slice3A_458, %get3A_461, %dot_general3A_462 {dimension_numbers = #tpu.dot_dimension_numbers<[1], [0], [0], [1], [0, 0, 1, 1], [], []>, transpose_lhs_hint = false} : vector<1024x8xbf16>, vector<8x64xbf16>, vector<1024x64xf32> -> vector<1024x64xf32>
    %convert_element_type3A_464 = arith.extf %slice3A_412 : vector<1024x64xbf16> to vector<1024x64xf32>
    %mul3A_465 = arith.mulf %convert_element_type3A_464, %dot_general3A_463 : vector<1024x64xf32>
    %convert_element_type3A_466 = arith.truncf %mul3A_465 : vector<1024x64xf32> to vector<1024x64xbf16>
    %get3A_467 = arith.constant 0 : index
    %get3A_468 = arith.constant 0 : index
    %get3A_469 = vector.load %arg29[%get3A_467, %get3A_468] : memref<64x8xbf16, #tpu.memory_space<vmem>>, vector<64x8xbf16>
    %dot_general3A_470 = arith.constant dense<0.000000e+00> : vector<1024x8xf32>
    %dot_general3A_471 = tpu.matmul %convert_element_type3A_466, %get3A_469, %dot_general3A_470 {dimension_numbers = #tpu.dot_dimension_numbers<[1], [0], [0], [1], [0, 0, 1, 1], [], []>, transpose_lhs_hint = false} : vector<1024x64xbf16>, vector<64x8xbf16>, vector<1024x8xf32> -> vector<1024x8xf32>
    %add3A_472 = arith.addf %add3A_350, %dot_general3A_471 : vector<1024x8xf32>
    %slice3A_473 = vector.extract_strided_slice %concatenate3A_98 {offsets = [0, 112], sizes = [1024, 8], strides = [1, 1]} : vector<1024x592xbf16> to vector<1024x8xbf16>
    %get3A_474 = arith.constant 0 : index
    %get3A_475 = arith.constant 0 : index
    %get3A_476 = vector.load %arg28[%get3A_474, %get3A_475] : memref<8x64xbf16, #tpu.memory_space<vmem>>, vector<8x64xbf16>
    %dot_general3A_477 = arith.constant dense<0.000000e+00> : vector<1024x64xf32>
    %dot_general3A_478 = tpu.matmul %slice3A_473, %get3A_476, %dot_general3A_477 {dimension_numbers = #tpu.dot_dimension_numbers<[1], [0], [0], [1], [0, 0, 1, 1], [], []>, transpose_lhs_hint = false} : vector<1024x8xbf16>, vector<8x64xbf16>, vector<1024x64xf32> -> vector<1024x64xf32>
    %convert_element_type3A_479 = arith.extf %slice3A_412 : vector<1024x64xbf16> to vector<1024x64xf32>
    %mul3A_480 = arith.mulf %convert_element_type3A_479, %dot_general3A_478 : vector<1024x64xf32>
    %convert_element_type3A_481 = arith.truncf %mul3A_480 : vector<1024x64xf32> to vector<1024x64xbf16>
    %get3A_482 = arith.constant 0 : index
    %get3A_483 = arith.constant 0 : index
    %get3A_484 = vector.load %arg29[%get3A_482, %get3A_483] : memref<64x8xbf16, #tpu.memory_space<vmem>>, vector<64x8xbf16>
    %dot_general3A_485 = arith.constant dense<0.000000e+00> : vector<1024x8xf32>
    %dot_general3A_486 = tpu.matmul %convert_element_type3A_481, %get3A_484, %dot_general3A_485 {dimension_numbers = #tpu.dot_dimension_numbers<[1], [0], [0], [1], [0, 0, 1, 1], [], []>, transpose_lhs_hint = false} : vector<1024x64xbf16>, vector<64x8xbf16>, vector<1024x8xf32> -> vector<1024x8xf32>
    %add3A_487 = arith.addf %add3A_365, %dot_general3A_486 : vector<1024x8xf32>
    %slice3A_488 = vector.extract_strided_slice %convert_element_type3A_45 {offsets = [0, 3008], sizes = [1024, 128], strides = [1, 1]} : vector<1024x3456xbf16> to vector<1024x128xbf16>
    %slice3A_489 = vector.extract_strided_slice %concatenate3A_98 {offsets = [0, 312], sizes = [1024, 8], strides = [1, 1]} : vector<1024x592xbf16> to vector<1024x8xbf16>
    %get3A_490 = arith.constant 0 : index
    %get3A_491 = arith.constant 0 : index
    %get3A_492 = vector.load %arg30[%get3A_490, %get3A_491] : memref<8x128xbf16, #tpu.memory_space<vmem>>, vector<8x128xbf16>
    %dot_general3A_493 = arith.constant dense<0.000000e+00> : vector<1024x128xf32>
    %dot_general3A_494 = tpu.matmul %slice3A_489, %get3A_492, %dot_general3A_493 {dimension_numbers = #tpu.dot_dimension_numbers<[1], [0], [0], [1], [0, 0, 1, 1], [], []>, transpose_lhs_hint = false} : vector<1024x8xbf16>, vector<8x128xbf16>, vector<1024x128xf32> -> vector<1024x128xf32>
    %convert_element_type3A_495 = arith.extf %slice3A_488 : vector<1024x128xbf16> to vector<1024x128xf32>
    %mul3A_496 = arith.mulf %convert_element_type3A_495, %dot_general3A_494 : vector<1024x128xf32>
    %convert_element_type3A_497 = arith.truncf %mul3A_496 : vector<1024x128xf32> to vector<1024x128xbf16>
    %get3A_498 = arith.constant 0 : index
    %get3A_499 = arith.constant 0 : index
    %get3A_500 = vector.load %arg31[%get3A_498, %get3A_499] : memref<128x16xbf16, #tpu.memory_space<vmem>>, vector<128x16xbf16>
    %dot_general3A_501 = arith.constant dense<0.000000e+00> : vector<1024x16xf32>
    %dot_general3A_502 = tpu.matmul %convert_element_type3A_497, %get3A_500, %dot_general3A_501 {dimension_numbers = #tpu.dot_dimension_numbers<[1], [0], [0], [1], [0, 0, 1, 1], [], []>, transpose_lhs_hint = false} : vector<1024x128xbf16>, vector<128x16xbf16>, vector<1024x16xf32> -> vector<1024x16xf32>
    %add3A_503 = arith.addf %add3A_381, %dot_general3A_502 : vector<1024x16xf32>
    %slice3A_504 = vector.extract_strided_slice %concatenate3A_98 {offsets = [0, 320], sizes = [1024, 8], strides = [1, 1]} : vector<1024x592xbf16> to vector<1024x8xbf16>
    %get3A_505 = arith.constant 0 : index
    %get3A_506 = arith.constant 0 : index
    %get3A_507 = vector.load %arg30[%get3A_505, %get3A_506] : memref<8x128xbf16, #tpu.memory_space<vmem>>, vector<8x128xbf16>
    %dot_general3A_508 = arith.constant dense<0.000000e+00> : vector<1024x128xf32>
    %dot_general3A_509 = tpu.matmul %slice3A_504, %get3A_507, %dot_general3A_508 {dimension_numbers = #tpu.dot_dimension_numbers<[1], [0], [0], [1], [0, 0, 1, 1], [], []>, transpose_lhs_hint = false} : vector<1024x8xbf16>, vector<8x128xbf16>, vector<1024x128xf32> -> vector<1024x128xf32>
    %convert_element_type3A_510 = arith.extf %slice3A_488 : vector<1024x128xbf16> to vector<1024x128xf32>
    %mul3A_511 = arith.mulf %convert_element_type3A_510, %dot_general3A_509 : vector<1024x128xf32>
    %convert_element_type3A_512 = arith.truncf %mul3A_511 : vector<1024x128xf32> to vector<1024x128xbf16>
    %get3A_513 = arith.constant 0 : index
    %get3A_514 = arith.constant 0 : index
    %get3A_515 = vector.load %arg31[%get3A_513, %get3A_514] : memref<128x16xbf16, #tpu.memory_space<vmem>>, vector<128x16xbf16>
    %dot_general3A_516 = arith.constant dense<0.000000e+00> : vector<1024x16xf32>
    %dot_general3A_517 = tpu.matmul %convert_element_type3A_512, %get3A_515, %dot_general3A_516 {dimension_numbers = #tpu.dot_dimension_numbers<[1], [0], [0], [1], [0, 0, 1, 1], [], []>, transpose_lhs_hint = false} : vector<1024x128xbf16>, vector<128x16xbf16>, vector<1024x16xf32> -> vector<1024x16xf32>
    %add3A_518 = arith.addf %add3A_396, %dot_general3A_517 : vector<1024x16xf32>
    %slice3A_519 = vector.extract_strided_slice %concatenate3A_98 {offsets = [0, 328], sizes = [1024, 8], strides = [1, 1]} : vector<1024x592xbf16> to vector<1024x8xbf16>
    %get3A_520 = arith.constant 0 : index
    %get3A_521 = arith.constant 0 : index
    %get3A_522 = vector.load %arg30[%get3A_520, %get3A_521] : memref<8x128xbf16, #tpu.memory_space<vmem>>, vector<8x128xbf16>
    %dot_general3A_523 = arith.constant dense<0.000000e+00> : vector<1024x128xf32>
    %dot_general3A_524 = tpu.matmul %slice3A_519, %get3A_522, %dot_general3A_523 {dimension_numbers = #tpu.dot_dimension_numbers<[1], [0], [0], [1], [0, 0, 1, 1], [], []>, transpose_lhs_hint = false} : vector<1024x8xbf16>, vector<8x128xbf16>, vector<1024x128xf32> -> vector<1024x128xf32>
    %convert_element_type3A_525 = arith.extf %slice3A_488 : vector<1024x128xbf16> to vector<1024x128xf32>
    %mul3A_526 = arith.mulf %convert_element_type3A_525, %dot_general3A_524 : vector<1024x128xf32>
    %convert_element_type3A_527 = arith.truncf %mul3A_526 : vector<1024x128xf32> to vector<1024x128xbf16>
    %get3A_528 = arith.constant 0 : index
    %get3A_529 = arith.constant 0 : index
    %get3A_530 = vector.load %arg31[%get3A_528, %get3A_529] : memref<128x16xbf16, #tpu.memory_space<vmem>>, vector<128x16xbf16>
    %dot_general3A_531 = arith.constant dense<0.000000e+00> : vector<1024x16xf32>
    %dot_general3A_532 = tpu.matmul %convert_element_type3A_527, %get3A_530, %dot_general3A_531 {dimension_numbers = #tpu.dot_dimension_numbers<[1], [0], [0], [1], [0, 0, 1, 1], [], []>, transpose_lhs_hint = false} : vector<1024x128xbf16>, vector<128x16xbf16>, vector<1024x16xf32> -> vector<1024x16xf32>
    %add3A_533 = arith.addf %add3A_411, %dot_general3A_532 : vector<1024x16xf32>
    %slice3A_534 = vector.extract_strided_slice %convert_element_type3A_45 {offsets = [0, 3136], sizes = [1024, 256], strides = [1, 1]} : vector<1024x3456xbf16> to vector<1024x256xbf16>
    %slice3A_535 = vector.extract_strided_slice %concatenate3A_98 {offsets = [0, 544], sizes = [1024, 8], strides = [1, 1]} : vector<1024x592xbf16> to vector<1024x8xbf16>
    %get3A_536 = arith.constant 0 : index
    %get3A_537 = arith.constant 0 : index
    %get3A_538 = vector.load %arg32[%get3A_536, %get3A_537] : memref<8x256xbf16, #tpu.memory_space<vmem>>, vector<8x256xbf16>
    %dot_general3A_539 = arith.constant dense<0.000000e+00> : vector<1024x256xf32>
    %dot_general3A_540 = tpu.matmul %slice3A_535, %get3A_538, %dot_general3A_539 {dimension_numbers = #tpu.dot_dimension_numbers<[1], [0], [0], [1], [0, 0, 1, 1], [], []>, transpose_lhs_hint = false} : vector<1024x8xbf16>, vector<8x256xbf16>, vector<1024x256xf32> -> vector<1024x256xf32>
    %convert_element_type3A_541 = arith.extf %slice3A_534 : vector<1024x256xbf16> to vector<1024x256xf32>
    %mul3A_542 = arith.mulf %convert_element_type3A_541, %dot_general3A_540 : vector<1024x256xf32>
    %convert_element_type3A_543 = arith.truncf %mul3A_542 : vector<1024x256xf32> to vector<1024x256xbf16>
    %get3A_544 = arith.constant 0 : index
    %get3A_545 = arith.constant 0 : index
    %get3A_546 = vector.load %arg33[%get3A_544, %get3A_545] : memref<256x32xbf16, #tpu.memory_space<vmem>>, vector<256x32xbf16>
    %dot_general3A_547 = arith.constant dense<0.000000e+00> : vector<1024x32xf32>
    %dot_general3A_548 = tpu.matmul %convert_element_type3A_543, %get3A_546, %dot_general3A_547 {dimension_numbers = #tpu.dot_dimension_numbers<[1], [0], [0], [1], [0, 0, 1, 1], [], []>, transpose_lhs_hint = false} : vector<1024x256xbf16>, vector<256x32xbf16>, vector<1024x32xf32> -> vector<1024x32xf32>
    %add3A_549 = arith.addf %add3A_289, %dot_general3A_548 : vector<1024x32xf32>
    %slice3A_550 = vector.extract_strided_slice %convert_element_type3A_45 {offsets = [0, 3392], sizes = [1024, 64], strides = [1, 1]} : vector<1024x3456xbf16> to vector<1024x64xbf16>
    %slice3A_551 = vector.extract_strided_slice %concatenate3A_98 {offsets = [0, 552], sizes = [1024, 8], strides = [1, 1]} : vector<1024x592xbf16> to vector<1024x8xbf16>
    %get3A_552 = arith.constant 0 : index
    %get3A_553 = arith.constant 0 : index
    %get3A_554 = vector.load %arg34[%get3A_552, %get3A_553] : memref<8x64xbf16, #tpu.memory_space<vmem>>, vector<8x64xbf16>
    %dot_general3A_555 = arith.constant dense<0.000000e+00> : vector<1024x64xf32>
    %dot_general3A_556 = tpu.matmul %slice3A_551, %get3A_554, %dot_general3A_555 {dimension_numbers = #tpu.dot_dimension_numbers<[1], [0], [0], [1], [0, 0, 1, 1], [], []>, transpose_lhs_hint = false} : vector<1024x8xbf16>, vector<8x64xbf16>, vector<1024x64xf32> -> vector<1024x64xf32>
    %convert_element_type3A_557 = arith.extf %slice3A_550 : vector<1024x64xbf16> to vector<1024x64xf32>
    %mul3A_558 = arith.mulf %convert_element_type3A_557, %dot_general3A_556 : vector<1024x64xf32>
    %convert_element_type3A_559 = arith.truncf %mul3A_558 : vector<1024x64xf32> to vector<1024x64xbf16>
    %get3A_560 = arith.constant 0 : index
    %get3A_561 = arith.constant 0 : index
    %get3A_562 = vector.load %arg35[%get3A_560, %get3A_561] : memref<64x8xbf16, #tpu.memory_space<vmem>>, vector<64x8xbf16>
    %dot_general3A_563 = arith.constant dense<0.000000e+00> : vector<1024x8xf32>
    %dot_general3A_564 = tpu.matmul %convert_element_type3A_559, %get3A_562, %dot_general3A_563 {dimension_numbers = #tpu.dot_dimension_numbers<[1], [0], [0], [1], [0, 0, 1, 1], [], []>, transpose_lhs_hint = false} : vector<1024x64xbf16>, vector<64x8xbf16>, vector<1024x8xf32> -> vector<1024x8xf32>
    %add3A_565 = arith.addf %add3A_427, %dot_general3A_564 : vector<1024x8xf32>
    %slice3A_566 = vector.extract_strided_slice %concatenate3A_98 {offsets = [0, 560], sizes = [1024, 8], strides = [1, 1]} : vector<1024x592xbf16> to vector<1024x8xbf16>
    %get3A_567 = arith.constant 0 : index
    %get3A_568 = arith.constant 0 : index
    %get3A_569 = vector.load %arg34[%get3A_567, %get3A_568] : memref<8x64xbf16, #tpu.memory_space<vmem>>, vector<8x64xbf16>
    %dot_general3A_570 = arith.constant dense<0.000000e+00> : vector<1024x64xf32>
    %dot_general3A_571 = tpu.matmul %slice3A_566, %get3A_569, %dot_general3A_570 {dimension_numbers = #tpu.dot_dimension_numbers<[1], [0], [0], [1], [0, 0, 1, 1], [], []>, transpose_lhs_hint = false} : vector<1024x8xbf16>, vector<8x64xbf16>, vector<1024x64xf32> -> vector<1024x64xf32>
    %convert_element_type3A_572 = arith.extf %slice3A_550 : vector<1024x64xbf16> to vector<1024x64xf32>
    %mul3A_573 = arith.mulf %convert_element_type3A_572, %dot_general3A_571 : vector<1024x64xf32>
    %convert_element_type3A_574 = arith.truncf %mul3A_573 : vector<1024x64xf32> to vector<1024x64xbf16>
    %get3A_575 = arith.constant 0 : index
    %get3A_576 = arith.constant 0 : index
    %get3A_577 = vector.load %arg35[%get3A_575, %get3A_576] : memref<64x8xbf16, #tpu.memory_space<vmem>>, vector<64x8xbf16>
    %dot_general3A_578 = arith.constant dense<0.000000e+00> : vector<1024x8xf32>
    %dot_general3A_579 = tpu.matmul %convert_element_type3A_574, %get3A_577, %dot_general3A_578 {dimension_numbers = #tpu.dot_dimension_numbers<[1], [0], [0], [1], [0, 0, 1, 1], [], []>, transpose_lhs_hint = false} : vector<1024x64xbf16>, vector<64x8xbf16>, vector<1024x8xf32> -> vector<1024x8xf32>
    %add3A_580 = arith.addf %add3A_442, %dot_general3A_579 : vector<1024x8xf32>
    %slice3A_581 = vector.extract_strided_slice %concatenate3A_98 {offsets = [0, 568], sizes = [1024, 8], strides = [1, 1]} : vector<1024x592xbf16> to vector<1024x8xbf16>
    %get3A_582 = arith.constant 0 : index
    %get3A_583 = arith.constant 0 : index
    %get3A_584 = vector.load %arg34[%get3A_582, %get3A_583] : memref<8x64xbf16, #tpu.memory_space<vmem>>, vector<8x64xbf16>
    %dot_general3A_585 = arith.constant dense<0.000000e+00> : vector<1024x64xf32>
    %dot_general3A_586 = tpu.matmul %slice3A_581, %get3A_584, %dot_general3A_585 {dimension_numbers = #tpu.dot_dimension_numbers<[1], [0], [0], [1], [0, 0, 1, 1], [], []>, transpose_lhs_hint = false} : vector<1024x8xbf16>, vector<8x64xbf16>, vector<1024x64xf32> -> vector<1024x64xf32>
    %convert_element_type3A_587 = arith.extf %slice3A_550 : vector<1024x64xbf16> to vector<1024x64xf32>
    %mul3A_588 = arith.mulf %convert_element_type3A_587, %dot_general3A_586 : vector<1024x64xf32>
    %convert_element_type3A_589 = arith.truncf %mul3A_588 : vector<1024x64xf32> to vector<1024x64xbf16>
    %get3A_590 = arith.constant 0 : index
    %get3A_591 = arith.constant 0 : index
    %get3A_592 = vector.load %arg35[%get3A_590, %get3A_591] : memref<64x8xbf16, #tpu.memory_space<vmem>>, vector<64x8xbf16>
    %dot_general3A_593 = arith.constant dense<0.000000e+00> : vector<1024x8xf32>
    %dot_general3A_594 = tpu.matmul %convert_element_type3A_589, %get3A_592, %dot_general3A_593 {dimension_numbers = #tpu.dot_dimension_numbers<[1], [0], [0], [1], [0, 0, 1, 1], [], []>, transpose_lhs_hint = false} : vector<1024x64xbf16>, vector<64x8xbf16>, vector<1024x8xf32> -> vector<1024x8xf32>
    %add3A_595 = arith.addf %add3A_457, %dot_general3A_594 : vector<1024x8xf32>
    %slice3A_596 = vector.extract_strided_slice %concatenate3A_98 {offsets = [0, 576], sizes = [1024, 8], strides = [1, 1]} : vector<1024x592xbf16> to vector<1024x8xbf16>
    %get3A_597 = arith.constant 0 : index
    %get3A_598 = arith.constant 0 : index
    %get3A_599 = vector.load %arg34[%get3A_597, %get3A_598] : memref<8x64xbf16, #tpu.memory_space<vmem>>, vector<8x64xbf16>
    %dot_general3A_600 = arith.constant dense<0.000000e+00> : vector<1024x64xf32>
    %dot_general3A_601 = tpu.matmul %slice3A_596, %get3A_599, %dot_general3A_600 {dimension_numbers = #tpu.dot_dimension_numbers<[1], [0], [0], [1], [0, 0, 1, 1], [], []>, transpose_lhs_hint = false} : vector<1024x8xbf16>, vector<8x64xbf16>, vector<1024x64xf32> -> vector<1024x64xf32>
    %convert_element_type3A_602 = arith.extf %slice3A_550 : vector<1024x64xbf16> to vector<1024x64xf32>
    %mul3A_603 = arith.mulf %convert_element_type3A_602, %dot_general3A_601 : vector<1024x64xf32>
    %convert_element_type3A_604 = arith.truncf %mul3A_603 : vector<1024x64xf32> to vector<1024x64xbf16>
    %get3A_605 = arith.constant 0 : index
    %get3A_606 = arith.constant 0 : index
    %get3A_607 = vector.load %arg35[%get3A_605, %get3A_606] : memref<64x8xbf16, #tpu.memory_space<vmem>>, vector<64x8xbf16>
    %dot_general3A_608 = arith.constant dense<0.000000e+00> : vector<1024x8xf32>
    %dot_general3A_609 = tpu.matmul %convert_element_type3A_604, %get3A_607, %dot_general3A_608 {dimension_numbers = #tpu.dot_dimension_numbers<[1], [0], [0], [1], [0, 0, 1, 1], [], []>, transpose_lhs_hint = false} : vector<1024x64xbf16>, vector<64x8xbf16>, vector<1024x8xf32> -> vector<1024x8xf32>
    %add3A_610 = arith.addf %add3A_472, %dot_general3A_609 : vector<1024x8xf32>
    %slice3A_611 = vector.extract_strided_slice %concatenate3A_98 {offsets = [0, 584], sizes = [1024, 8], strides = [1, 1]} : vector<1024x592xbf16> to vector<1024x8xbf16>
    %get3A_612 = arith.constant 0 : index
    %get3A_613 = arith.constant 0 : index
    %get3A_614 = vector.load %arg34[%get3A_612, %get3A_613] : memref<8x64xbf16, #tpu.memory_space<vmem>>, vector<8x64xbf16>
    %dot_general3A_615 = arith.constant dense<0.000000e+00> : vector<1024x64xf32>
    %dot_general3A_616 = tpu.matmul %slice3A_611, %get3A_614, %dot_general3A_615 {dimension_numbers = #tpu.dot_dimension_numbers<[1], [0], [0], [1], [0, 0, 1, 1], [], []>, transpose_lhs_hint = false} : vector<1024x8xbf16>, vector<8x64xbf16>, vector<1024x64xf32> -> vector<1024x64xf32>
    %convert_element_type3A_617 = arith.extf %slice3A_550 : vector<1024x64xbf16> to vector<1024x64xf32>
    %mul3A_618 = arith.mulf %convert_element_type3A_617, %dot_general3A_616 : vector<1024x64xf32>
    %convert_element_type3A_619 = arith.truncf %mul3A_618 : vector<1024x64xf32> to vector<1024x64xbf16>
    %get3A_620 = arith.constant 0 : index
    %get3A_621 = arith.constant 0 : index
    %get3A_622 = vector.load %arg35[%get3A_620, %get3A_621] : memref<64x8xbf16, #tpu.memory_space<vmem>>, vector<64x8xbf16>
    %dot_general3A_623 = arith.constant dense<0.000000e+00> : vector<1024x8xf32>
    %dot_general3A_624 = tpu.matmul %convert_element_type3A_619, %get3A_622, %dot_general3A_623 {dimension_numbers = #tpu.dot_dimension_numbers<[1], [0], [0], [1], [0, 0, 1, 1], [], []>, transpose_lhs_hint = false} : vector<1024x64xbf16>, vector<64x8xbf16>, vector<1024x8xf32> -> vector<1024x8xf32>
    %add3A_625 = arith.addf %add3A_487, %dot_general3A_624 : vector<1024x8xf32>
    %broadcast_in_dim3A = arith.constant 0.000000e+00 : f32
    %broadcast_in_dim3A_626 = vector.broadcast %broadcast_in_dim3A : f32 to vector<1024x8xf32>
    %concatenate3A_627 = tpu.concatenate %add3A_549, %add3A_503, %add3A_518, %add3A_533, %add3A_565, %add3A_580, %add3A_595, %add3A_610, %add3A_625, %broadcast_in_dim3A_626 in 1 : vector<1024x32xf32>, vector<1024x16xf32>, vector<1024x16xf32>, vector<1024x16xf32>, vector<1024x8xf32>, vector<1024x8xf32>, vector<1024x8xf32>, vector<1024x8xf32>, vector<1024x8xf32>, vector<1024x8xf32> -> vector<1024x128xf32>
    %convert_element_type3A_628 = arith.truncf %concatenate3A_627 : vector<1024x128xf32> to vector<1024x128xbf16>
    %get3A_629 = arith.constant 0 : index
    %get3A_630 = arith.constant 0 : index
    %get3A_631 = vector.load %arg10[%get3A_629, %get3A_630] : memref<128x128xbf16, #tpu.memory_space<vmem>>, vector<128x128xbf16>
    %dot_general3A_632 = arith.constant dense<0.000000e+00> : vector<1024x128xf32>
    %dot_general3A_633 = tpu.matmul %convert_element_type3A_628, %get3A_631, %dot_general3A_632 {dimension_numbers = #tpu.dot_dimension_numbers<[1], [0], [0], [1], [0, 0, 1, 1], [], []>, transpose_lhs_hint = false} : vector<1024x128xbf16>, vector<128x128xbf16>, vector<1024x128xf32> -> vector<1024x128xf32>
    %swap3A = arith.constant 0 : index
    %swap3A_634 = arith.constant 0 : index
    %swap3A_635 = vector.load %arg36[%swap3A, %swap3A_634] : memref<1024x128xf32, #tpu.memory_space<vmem>>, vector<1024x128xf32>
    tpu.vector_store %arg36[%swap3A, %swap3A_634], %dot_general3A_633 {strides = array<i32>} : memref<1024x128xf32, #tpu.memory_space<vmem>>, vector<1024x128xf32>,
    return
  }
  func.func @transform_0(%arg0: i32) -> (i32, i32) {
    %c0_i32 = arith.constant 0 : i32
    %c0_i32_0 = arith.constant 0 : i32
    return %arg0, %c0_i32 : i32, i32
  }
  func.func @transform_1(%arg0: i32) -> (i32, i32) {
    %c0_i32 = arith.constant 0 : i32
    %c0_i32_0 = arith.constant 0 : i32
    return %arg0, %c0_i32 : i32, i32
  }
  func.func @transform_2(%arg0: i32) -> (i32, i32) {
    %c0_i32 = arith.constant 0 : i32
    %c0_i32_0 = arith.constant 0 : i32
    return %arg0, %c0_i32 : i32, i32
  }
  func.func @transform_3(%arg0: i32) -> (i32, i32) {
    %c0_i32 = arith.constant 0 : i32
    %c0_i32_0 = arith.constant 0 : i32
    %c0_i32_1 = arith.constant 0 : i32
    return %c0_i32, %c0_i32_0 : i32, i32
  }
  func.func @transform_4(%arg0: i32) -> (i32, i32) {
    %c0_i32 = arith.constant 0 : i32
    %c0_i32_0 = arith.constant 0 : i32
    %c0_i32_1 = arith.constant 0 : i32
    return %c0_i32, %c0_i32_0 : i32, i32
  }
  func.func @transform_5(%arg0: i32) -> (i32, i32) {
    %c0_i32 = arith.constant 0 : i32
    %c0_i32_0 = arith.constant 0 : i32
    %c0_i32_1 = arith.constant 0 : i32
    return %c0_i32, %c0_i32_0 : i32, i32
  }
  func.func @transform_6(%arg0: i32) -> (i32, i32) {
    %c0_i32 = arith.constant 0 : i32
    %c0_i32_0 = arith.constant 0 : i32
    %c0_i32_1 = arith.constant 0 : i32
    return %c0_i32, %c0_i32_0 : i32, i32
  }
  func.func @transform_7(%arg0: i32) -> (i32, i32) {
    %c0_i32 = arith.constant 0 : i32
    %c0_i32_0 = arith.constant 0 : i32
    %c0_i32_1 = arith.constant 0 : i32
    return %c0_i32, %c0_i32_0 : i32, i32
  }
  func.func @transform_8(%arg0: i32) -> (i32, i32) {
    %c0_i32 = arith.constant 0 : i32
    %c0_i32_0 = arith.constant 0 : i32
    %c0_i32_1 = arith.constant 0 : i32
    return %c0_i32, %c0_i32_0 : i32, i32
  }
  func.func @transform_9(%arg0: i32) -> (i32, i32) {
    %c0_i32 = arith.constant 0 : i32
    %c0_i32_0 = arith.constant 0 : i32
    %c0_i32_1 = arith.constant 0 : i32
    return %c0_i32, %c0_i32_0 : i32, i32
  }
  func.func @transform_10(%arg0: i32) -> (i32, i32) {
    %c0_i32 = arith.constant 0 : i32
    %c0_i32_0 = arith.constant 0 : i32
    %c0_i32_1 = arith.constant 0 : i32
    return %c0_i32, %c0_i32_0 : i32, i32
  }
  func.func @transform_11(%arg0: i32) -> (i32, i32) {
    %c0_i32 = arith.constant 0 : i32
    %c0_i32_0 = arith.constant 0 : i32
    %c0_i32_1 = arith.constant 0 : i32
    return %c0_i32, %c0_i32_0 : i32, i32
  }
  func.func @transform_12(%arg0: i32) -> (i32, i32) {
    %c0_i32 = arith.constant 0 : i32
    %c0_i32_0 = arith.constant 0 : i32
    %c0_i32_1 = arith.constant 0 : i32
    return %c0_i32, %c0_i32_0 : i32, i32
  }
  func.func @transform_13(%arg0: i32) -> (i32, i32) {
    %c0_i32 = arith.constant 0 : i32
    %c0_i32_0 = arith.constant 0 : i32
    %c0_i32_1 = arith.constant 0 : i32
    return %c0_i32, %c0_i32_0 : i32, i32
  }
  func.func @transform_14(%arg0: i32) -> (i32, i32) {
    %c0_i32 = arith.constant 0 : i32
    %c0_i32_0 = arith.constant 0 : i32
    %c0_i32_1 = arith.constant 0 : i32
    return %c0_i32, %c0_i32_0 : i32, i32
  }
  func.func @transform_15(%arg0: i32) -> (i32, i32) {
    %c0_i32 = arith.constant 0 : i32
    %c0_i32_0 = arith.constant 0 : i32
    %c0_i32_1 = arith.constant 0 : i32
    return %c0_i32, %c0_i32_0 : i32, i32
  }
  func.func @transform_16(%arg0: i32) -> (i32, i32) {
    %c0_i32 = arith.constant 0 : i32
    %c0_i32_0 = arith.constant 0 : i32
    %c0_i32_1 = arith.constant 0 : i32
    return %c0_i32, %c0_i32_0 : i32, i32
  }
  func.func @transform_17(%arg0: i32) -> (i32, i32) {
    %c0_i32 = arith.constant 0 : i32
    %c0_i32_0 = arith.constant 0 : i32
    %c0_i32_1 = arith.constant 0 : i32
    return %c0_i32, %c0_i32_0 : i32, i32
  }
  func.func @transform_18(%arg0: i32) -> (i32, i32) {
    %c0_i32 = arith.constant 0 : i32
    %c0_i32_0 = arith.constant 0 : i32
    %c0_i32_1 = arith.constant 0 : i32
    return %c0_i32, %c0_i32_0 : i32, i32
  }
  func.func @transform_19(%arg0: i32) -> (i32, i32) {
    %c0_i32 = arith.constant 0 : i32
    %c0_i32_0 = arith.constant 0 : i32
    %c0_i32_1 = arith.constant 0 : i32
    return %c0_i32, %c0_i32_0 : i32, i32
  }
  func.func @transform_20(%arg0: i32) -> (i32, i32) {
    %c0_i32 = arith.constant 0 : i32
    %c0_i32_0 = arith.constant 0 : i32
    %c0_i32_1 = arith.constant 0 : i32
    return %c0_i32, %c0_i32_0 : i32, i32
  }
  func.func @transform_21(%arg0: i32) -> (i32, i32) {
    %c0_i32 = arith.constant 0 : i32
    %c0_i32_0 = arith.constant 0 : i32
    %c0_i32_1 = arith.constant 0 : i32
    return %c0_i32, %c0_i32_0 : i32, i32
  }
  func.func @transform_22(%arg0: i32) -> (i32, i32) {
    %c0_i32 = arith.constant 0 : i32
    %c0_i32_0 = arith.constant 0 : i32
    %c0_i32_1 = arith.constant 0 : i32
    return %c0_i32, %c0_i32_0 : i32, i32
  }
  func.func @transform_23(%arg0: i32) -> (i32, i32) {
    %c0_i32 = arith.constant 0 : i32
    %c0_i32_0 = arith.constant 0 : i32
    %c0_i32_1 = arith.constant 0 : i32
    return %c0_i32, %c0_i32_0 : i32, i32
  }
  func.func @transform_24(%arg0: i32) -> (i32, i32) {
    %c0_i32 = arith.constant 0 : i32
    %c0_i32_0 = arith.constant 0 : i32
    %c0_i32_1 = arith.constant 0 : i32
    return %c0_i32, %c0_i32_0 : i32, i32
  }
  func.func @transform_25(%arg0: i32) -> (i32, i32) {
    %c0_i32 = arith.constant 0 : i32
    %c0_i32_0 = arith.constant 0 : i32
    %c0_i32_1 = arith.constant 0 : i32
    return %c0_i32, %c0_i32_0 : i32, i32
  }
  func.func @transform_26(%arg0: i32) -> (i32, i32) {
    %c0_i32 = arith.constant 0 : i32
    %c0_i32_0 = arith.constant 0 : i32
    %c0_i32_1 = arith.constant 0 : i32
    return %c0_i32, %c0_i32_0 : i32, i32
  }
  func.func @transform_27(%arg0: i32) -> (i32, i32) {
    %c0_i32 = arith.constant 0 : i32
    %c0_i32_0 = arith.constant 0 : i32
    %c0_i32_1 = arith.constant 0 : i32
    return %c0_i32, %c0_i32_0 : i32, i32
  }
  func.func @transform_28(%arg0: i32) -> (i32, i32) {
    %c0_i32 = arith.constant 0 : i32
    %c0_i32_0 = arith.constant 0 : i32
    %c0_i32_1 = arith.constant 0 : i32
    return %c0_i32, %c0_i32_0 : i32, i32
  }
  func.func @transform_29(%arg0: i32) -> (i32, i32) {
    %c0_i32 = arith.constant 0 : i32
    %c0_i32_0 = arith.constant 0 : i32
    %c0_i32_1 = arith.constant 0 : i32
    return %c0_i32, %c0_i32_0 : i32, i32
  }
  func.func @transform_30(%arg0: i32) -> (i32, i32) {
    %c0_i32 = arith.constant 0 : i32
    %c0_i32_0 = arith.constant 0 : i32
    %c0_i32_1 = arith.constant 0 : i32
    return %c0_i32, %c0_i32_0 : i32, i32
  }
  func.func @transform_31(%arg0: i32) -> (i32, i32) {
    %c0_i32 = arith.constant 0 : i32
    %c0_i32_0 = arith.constant 0 : i32
    %c0_i32_1 = arith.constant 0 : i32
    return %c0_i32, %c0_i32_0 : i32, i32
  }
  func.func @transform_32(%arg0: i32) -> (i32, i32) {
    %c0_i32 = arith.constant 0 : i32
    %c0_i32_0 = arith.constant 0 : i32
    %c0_i32_1 = arith.constant 0 : i32
    return %c0_i32, %c0_i32_0 : i32, i32
  }
  func.func @transform_33(%arg0: i32) -> (i32, i32) {
    %c0_i32 = arith.constant 0 : i32
    %c0_i32_0 = arith.constant 0 : i32
    %c0_i32_1 = arith.constant 0 : i32
    return %c0_i32, %c0_i32_0 : i32, i32
  }
  func.func @transform_34(%arg0: i32) -> (i32, i32) {
    %c0_i32 = arith.constant 0 : i32
    %c0_i32_0 = arith.constant 0 : i32
    %c0_i32_1 = arith.constant 0 : i32
    return %c0_i32, %c0_i32_0 : i32, i32
  }
  func.func @transform_35(%arg0: i32) -> (i32, i32) {
    %c0_i32 = arith.constant 0 : i32
    %c0_i32_0 = arith.constant 0 : i32
    return %arg0, %c0_i32 : i32, i32
  }
}

</mosaic_0001>

<sc_bundles>
// kernel: kernel.5.cloned.1.call-start
scs
__scs_entry_jumppad:
0x0: {  	(pc) =	sbr.rel $0x88, $3  }
0x1: {  	(tag) =	ssettag $0x0;
	lr =	simm.s32 $0x1  }
0x2: {  	[smem:$0x3F94] =	sst lr;
	_ =	strace $0xD0000000  }
0x3: {  	_ = 	snop  }
0x4: {  	_ = 	snop  }
0x5: {  	_ = 	snop  }
0x6: {  	_ = 	snop  }
0x7: {  	_ = 	snop  }
__scs_overlays_trampoline_lowered:
0x8: {  	[smem:$0x3FA3] =	sst s0  }
0x9: {  	[smem:$0x3FA4] =	sst s1  }
0xa: {  	[smem:$0x3FA5] =	sst s2  }
0xb: {  	[smem:$0x3FA6] =	sst s3  }
0xc: {  	[smem:$0x3FA7] =	sst s4  }
0xd: {  	[smem:$0x3FA8] =	sst s5  }
0xe: {  	[smem:$0x3FA9] =	sst s6  }
0xf: {  	[smem:$0x3FAA] =	sst s7  }
0x10: {  	[smem:$0x3FAB] =	sst s8  }
0x11: {  	[smem:$0x3FAC] =	sst s9;
	s0 =	simm.s32 @!p0 $0x0  }
0x12: {  	s1 =	sld [smem:$0x3F92];
	s0 =	simm.s32 @p0 $0x1  }
0x13: {  	[smem:$0x3FAD] =	sst s0;
	s0 =	simm.s32 @!p1 $0x0  }
0x14: {  	s2 =	sld [smem:$0x3F91];
	s0 =	simm.s32 @p1 $0x1  }
0x15: {  	[smem:$0x3FAE] =	sst s0;
	s0 =	simm.s32 @!p2 $0x0  }
0x16: {  	s3 =	sld [smem:$0x3FDB];
	s0 =	simm.s32 @p2 $0x1  }
0x17: {  	s4 =	simm.s32 $0x1BF5;
	[smem:$0x3FB0] =	sst s0  }
0x18: {  	s0 =	sld [smem:$0x3F93];
	_ =	swait.ge [sflag:s4], $0x0  }
0x19: {  	s7 =	sld [smem:$0x3F94]  }
0x1a: {  	s8 =	sadd.s32 $0xFFFFE003, lr  }
0x1b: {  	s9 =	sadd.s32 $0xFFFFFEF7, lr;
	s5 =	simm.s32 $0xFFFFFFFF;
	p2 =	slt.u32 s8, $0xFFFFF086  }
0x1c: {  	p1 =	slt.u32 s9, $0xF7A;
	s5 =	simm.s32 @!p2 $0x0  }
0x1d: {  	s5 =	simm.s32 @p1 $0x1;
	p0 =	seq.s32 s7, s2  }
0x1e: {  	s7 =	smul.u32 @!p0 $0xF7A, s2;
	p2 =	seq.s32 @!p0 s5, $0x0  }
0x1f: {  	s9 =	smul.u32 $0xF7A, s1;
	s8 =	simm.s32 @!p0 $0x1BF5;
	p2 =	por !p2, p0  }
0x20: {  	[sflag:s8] =	ssyncset.s32 @!p0 $0xFFFFF086;
	s6 =	sadd.s32 @!p0 s3, s7;
	s7 =	simm.s32 @!p0 $0x108  }
0x21: {  	s3 =	sadd.s32 s3, s9;
	s6 =	sadd.s32 @!p0 $0x88, s6;
	s7 =	simm.s32 @p2 $0x1082  }
0x22: {  	[simem:s7], [sflag:s8] =	dma.local @!p0 [hbm:s6], $0xF7A  }
0x23: {  	s9 =	sor.u32 $0xD0000000, s2;
	s6 =	simm.s32 $0x108;
	_ =	swait.ge @!p0 [sflag:s8], $0x0  }
0x24: {  	s3 =	sadd.s32 $0x88, s3;
	s6 =	simm.s32 @!p1 $0x1082;
	[sflag:s4] =	ssyncset.s32 $0xFFFFF086  }
0x25: {  	[simem:s6], [sflag:s4] =	dma.local [hbm:s3], $0xF7A  }
0x26: {  	[smem:$0x3F94] =	sst s1;
	(tag) =	ssettag s2;
	_ =	strace s9  }
0x27: {  	s1 =	sld [smem:$0x3FA4]  }
0x28: {  	s2 =	sld [smem:$0x3FA5]  }
0x29: {  	s4 =	sld [smem:$0x3FA7]  }
0x2a: {  	p0 =	seq.s32 s5, $0x0;
	s5 =	sld [smem:$0x3FA8]  }
0x2b: {  	s6 =	sld [smem:$0x3FA9]  }
0x2c: {  	s7 =	sld [smem:$0x3FAA]  }
0x2d: {  	s3 =	simm.s32 $0x108;
	s8 =	sld [smem:$0x3FAB]  }
0x2e: {  	s3 =	simm.s32 @!p0 $0x1082;
	s9 =	sld [smem:$0x3FAC]  }
0x2f: {  	lr =	sadd.s32 s0, s3;
	s0 =	sld [smem:$0x3FA3]  }
0x30: {  	s3 =	sld [smem:$0x3FA6]  }
0x31: {  	[smem:$0x3FAF] =	sst s10  }
0x32: {  	s10 =	sld [smem:$0x3FAD];
	_ =	sdelay $0x3  }
0x33: {  	p0 =	seq.s32 s10, $0x1;
	s10 =	sld [smem:$0x3FAF];
	_ =	sdelay $0x3  }
0x34: {  	[smem:$0x3FAF] =	sst s10  }
0x35: {  	s10 =	sld [smem:$0x3FAE];
	_ =	sdelay $0x3  }
0x36: {  	p1 =	seq.s32 s10, $0x1;
	s10 =	sld [smem:$0x3FAF];
	_ =	sdelay $0x3  }
0x37: {  	[smem:$0x3FAF] =	sst s10  }
0x38: {  	s10 =	sld [smem:$0x3FB0]  }
0x39: {  	_ = 	snop;
	(pc) =	sbr.ind lr, $3  }
0x3a: {  	_ = 	snop  }
0x3b: {  	_ = 	snop  }
0x3c: {  	p2 =	seq.s32 s10, $0x1;
	s10 =	sld [smem:$0x3FAF]  }
0x3d: {  	_ =	shalt  }
0x3e: {  	_ =	shalt  }
0x3f: {  	_ =	shalt  }
0x40: {  	_ =	shalt  }
0x41: {  	_ =	shalt  }
0x42: {  	_ =	shalt  }
0x43: {  	_ =	shalt  }
0x44: {  	_ =	shalt  }
0x45: {  	_ =	shalt  }
0x46: {  	_ =	shalt  }
0x47: {  	_ =	shalt  }
0x48: {  	_ =	shalt  }
0x49: {  	_ =	shalt  }
0x4a: {  	_ =	shalt  }
0x4b: {  	_ =	shalt  }
0x4c: {  	_ =	shalt  }
0x4d: {  	_ =	shalt  }
0x4e: {  	_ =	shalt  }
0x4f: {  	_ =	shalt  }
0x50: {  	_ =	shalt  }
0x51: {  	_ =	shalt  }
0x52: {  	_ =	shalt  }
0x53: {  	_ =	shalt  }
0x54: {  	_ =	shalt  }
0x55: {  	_ =	shalt  }
0x56: {  	_ =	shalt  }
0x57: {  	_ =	shalt  }
0x58: {  	_ =	shalt  }
0x59: {  	_ =	shalt  }
0x5a: {  	_ =	shalt  }
0x5b: {  	_ =	shalt  }
0x5c: {  	_ =	shalt  }
0x5d: {  	_ =	shalt  }
0x5e: {  	_ =	shalt  }
0x5f: {  	_ =	shalt  }
0x60: {  	_ =	shalt  }
0x61: {  	_ =	shalt  }
0x62: {  	_ =	shalt  }
0x63: {  	_ =	shalt  }
0x64: {  	_ =	shalt  }
0x65: {  	_ =	shalt  }
0x66: {  	_ =	shalt  }
0x67: {  	_ =	shalt  }
0x68: {  	_ =	shalt  }
0x69: {  	_ =	shalt  }
0x6a: {  	_ =	shalt  }
0x6b: {  	_ =	shalt  }
0x6c: {  	_ =	shalt  }
0x6d: {  	_ =	shalt  }
0x6e: {  	_ =	shalt  }
0x6f: {  	_ =	shalt  }
0x70: {  	_ =	shalt  }
0x71: {  	_ =	shalt  }
0x72: {  	_ =	shalt  }
0x73: {  	_ =	shalt  }
0x74: {  	_ =	shalt  }
0x75: {  	_ =	shalt  }
0x76: {  	_ =	shalt  }
0x77: {  	_ =	shalt  }
0x78: {  	_ =	shalt  }
0x79: {  	_ =	shalt  }
0x7a: {  	_ =	shalt  }
0x7b: {  	_ =	shalt  }
0x7c: {  	_ =	shalt  }
0x7d: {  	_ =	shalt  }
0x7e: {  	_ =	shalt  }
0x7f: {  	_ =	shalt  }
0x80: {  	_ =	shalt  }
0x81: {  	_ =	shalt  }
0x82: {  	_ =	shalt  }
0x83: {  	_ =	shalt  }
0x84: {  	_ =	shalt  }
0x85: {  	_ =	shalt  }
0x86: {  	_ =	shalt  }
0x87: {  	_ =	shalt  }
.Lfunc_end0:
.L_simem_size_0:
called_computation_lowered:
.L_overlay_start_0:
0x88: {  	s2 =	sld [smem:$0x3FD9]  }
0x89: {  	s3 =	sld [smem:$0x3FFE];
	_ =	sdelay $0x1  }
0x8a: {  	s1 =	srdreg.scid  }
0x8b: {  	s0 =	sand.u32 $0x1, s1  }
0x8c: {  	s17 =	sshll.u32 s0, $0xA;
	s2 =	sadd.s32 s3, s2  }
0x8d: {  	s2 =	sadd.s32 s2, s17  }
0x8e: {  	[smem:$0x3FBB] =	sst s2  }
0x8f: {  	_ = 	snop  }
0x90: {  	s2 =	sld [smem:$0x3FD0];
	(tm) =	ssettm $0x1  }
0x91: {  	s18 =	sld [smem:$0x3FFB];
	_ =	sdelay $0x3  }
0x92: {  	_ =	strace s18  }
0x93: {  	s3 =	sld [smem:$0x3FFC];
	_ =	sdelay $0x3  }
0x94: {  	_ =	strace s3  }
0x95: {  	s3 =	sld [smem:$0x3FFD];
	_ =	sdelay $0x3  }
0x96: {  	_ =	strace s3  }
0x97: {  	_ =	strace $0x8FFFFFFF  }
0x98: {  	s19 =	sld [smem:$0x3FDB];
	_ =	sdelay $0x1  }
0x99: {  	s4 =	simm.s32 $_scs_section_size  }
0x9a: {  	s5 =	simm.s32 $_size__tile_overlayer_lowered;
	s6 =	simm.s32 $_tile_overlayer_lowered  }
0x9b: {  	s22 =	simm.s32 $0x1BFF;
	s21 =	sshll.u32 s6, $0x1;
	s3 =	sadd.s32 s4, s19  }
0x9c: {  	s7 =	simm.s32 $0x0;
	s20 =	sshll.u32 s5, $0x1;
	s5 =	sadd.s32 s21, s3  }
0x9d: {  	[timem:s7], [sflag:s22] =	dma.local [hbm:s5], s20  }
0x9e: {  	_ =	swait.ge [sflag:s22], s20  }
0x9f: {  	s4 =	ssub.s32 $0x0, s20;
	[sflag:s22] =	ssyncset.done $0x0  }
0xa0: {  	[sflag:s22] =	ssyncadd.s32 s4;
	_ =	sdelay $0x1  }
0xa1: {  	s23 =	simm.s32 $0x1B8B  }
0xa2: {  	_ =	swait.ge [sflag:s23], $0x1  }
0xa3: {  	[sflag:s23] =	ssyncset.done $0x0  }
0xa4: {  	s25 =	simm.s32 $0x1B8E;
	s24 =	sld [smem:$0x3FFE];
	[sflag:s23] =	ssyncadd.s32 $0xFFFFFFFF  }
0xa5: {  	s26 =	simm.s32 $execute0_lowered;
	[smem:$0x3FD2] =	sst s25  }
0xa6: {  	s5 =	sshll.u32 s26, $0x1;
	_ =	strace $0x80000046;
	[dreg:$0x1] =	wrdreg $0xFFFFFFFF  }
0xa7: {  	s28 =	simm.s32 $_size_execute0_lowered;
	s3 =	sadd.s32 s3, s5;
	[dreg:$0x0] =	wrdreg $0x0  }
0xa8: {  	s5 =	sshll.u32 s28, $0x1;
	[dreg:$0x2] =	wrdreg s3  }
0xa9: {  	[dreg:$0x3] =	wrdreg s5  }
0xaa: {  	[dreg:$0x4] =	wrdreg $0xC0  }
0xab: {  	_ =	task [dreg:s7], $0x5FFFF  }
0xac: {  	[dreg:$0x1] =	wrdreg $0xFFFFFFFF  }
0xad: {  	[dreg:$0x0] =	wrdreg $0x60  }
0xae: {  	[dreg:$0x2] =	wrdreg s24  }
0xaf: {  	[dreg:$0x3] =	wrdreg s2  }
0xb0: {  	[dreg:$0x4] =	wrdreg $0x9  }
0xb1: {  	_ =	task.clear_ibuf [dreg:s7], $0x5FFFF;
	_ =	strace $0x90000046  }
0xb2: {  	s29 =	simm.s32 $0x9;
	_ =	strace $0x80000048  }
0xb3: {  	_ =	swait.ge [sflag:s29], $0x1  }
0xb4: {  	[sflag:s29] =	ssyncadd.s32 $0xFFFFFFFF  }
0xb5: {  	_ =	strace $0x90000048  }
0xb6: {  	_ =	sfence  }
0xb7: {  	s30 =	sld [smem:$0x0];
	_ =	sdelay $0x2  }
0xb8: {  	s31 =	sshll.u32 s1, $0xD;
	s1 =	sshrl.u32 s1, $0x2  }
0xb9: {  	s3 =	sand.u32 $0x4000, s31;
	s1 =	sadd.s32 s1, s30  }
0xba: {  	s0 =	sor.u32 s3, s0;
	s1 =	sshll.u32 s1, $0x11  }
0xbb: {  	s0 =	sor.u32 s1, s0  }
0xbc: {  	s0 =	sadd.s32 $0x8F2B, s0  }
0xbd: {  	[sflag:s0] =	ssyncadd.remote.s32 $0x1  }
0xbe: {  	_ =	sfence.sel $0xFFFF  }
0xbf: {  	[dreg:$0x0] =	wrdreg $0xFFFFFFFF;
	(pc) =	sbr.abs _section_cstart, $3  }
0xc0: {  	[dreg:$0x1] =	wrdreg $0xFFFFFFFF  }
0xc1: {  	_ =	task.clear_ibuf [dreg:s7], $0x2FFFF;
	_ =	strace $0x9FFFFFFF  }
0xc2: {  	(tm) =	ssettm $0x7FFFFFFF  }
0xc3: {  	_ =	shalt  }
tec
execute0_lowered:
.L_overlay_start_1:
0x0: {  	(tag) =	ssettag $0x1  }
0x1: {  	s5 =	rddreg [dreg:$0x0]  }
0x2: {  	s2 =	rddreg [dreg:$0x1]  }
0x3: {  	s0 =	rddreg [dreg:$0x2];
	s1 =	stileid.u32  }
0x4: {  	s4 =	srdreg.scid;
	s11 =	smul.u32 $0xC8000, s1  }
0x5: {  	s3 =	simm.s32 $0x0;
	s15 =	simm.s32 $0x4100;
	s13 =	smul.u32 $0x1900, s1  }
0x6: {  	s16 =	simm.s32 $0x1;
	s8 =	sand.u32 $0x1, s4;
	s28 =	smul.u32 $0x19000, s1  }
0x7: {  	s17 =	simm.s32 $0x2;
	s18 =	simm.s32 $0x0;
	s12 =	smul.u32 $0x64000, s8  }
0x8: {  	s21 =	sshll.u32 s1, $0x1;
	[smem:$0x7FF] =	sst s3;
	s14 =	smul.u32 $0xC80, s8  }
0x9: {  	s4 =	sadd.s32 $0x7400, s5;
	s6 =	sor.u32 s8, s21;
	s30 =	smul.u32 $0xC800, s8  }
0xa: {  	s10 =	sadd.s32 $0x2E600, s5;
	s9 =	ssub.s32 $0x2, s8;
	s7 =	smul.u32 $0xC80, s6  }
0xb: {  	_ =	strace $0x80000047;
	s6 =	smul.u32 $0x64000, s6;
	s22 =	sshrl.u32 s9, $0x1  }
0xc: {  	s9 =	ssub.s32 s9, s22;
	s26 =	sadd.s32 s12, s11;
	s29 =	sadd.s32 s14, s13  }
0xd: {  	s12 =	simm.s32 $0x3;
	s13 =	simm.s32 $0x80;
	s14 =	simm.s32 $0x100  }
0xe: {  	s23 =	sshrl.u32 s6, $0x3;
	s24 =	sshrl.u32 s7, $0x3;
	s7 =	smax.u32 s9, $0x1  }
0xf: {  	s9 =	sshrl.u32 s26, $0x3;
	s31 =	sadd.s32 $0x80, s29;
	s25 =	sadd.s32 s10, s23  }
0x10: {  	s5 =	sadd.s32 s2, s24;
	s8 =	sadd.s32 s9, s10;
	s10 =	sadd.s32 s28, s10  }
0x11: {  	s9 =	sadd.s32 $0x100, s29;
	s11 =	sshrl.u32 s31, $0x3;
	s10 =	sadd.s32 s30, s10  }
0x12: {  	s6 =	sadd.s32 $0xC000, s25;
	s11 =	sadd.s32 s11, s2;
	s10 =	sadd.s32 $0x800, s10  }
.LBB2_1:
0x13: {  	[tilespmem:s3], [sflag:$0x3] =	stream.linear.gather [hbm4b:s5+s3], $0x80, $0x38;
	[tilespmem:$0x8100] =	vst v63  }
0x14: {  	_ =	swait.ge [sflag:s12], $0x80  }
0x15: {  	[sflag:s12] =	ssyncset.done $0x0  }
0x16: {  	[sflag:s12] =	ssyncadd.s32 $0xFFFFFF80  }
0x17: {  	[tilespmem:s14], [sflag:$0x1] =	stream.indirect.gather [hbm4b:s4+s13], $0x80, s3, s13, $0xb8;
	[tilespmem:$0x8100] =	vst v63  }
0x18: {  	_ = 	snop  }
0x19: {  	[tilespmem:s13], [sflag:$0x3] =	stream.linear.gather [hbm4b:s11+s3], $0x80, $0x38;
	[tilespmem:$0x8100] =	vst v63  }
0x1a: {  	_ =	swait.ge [sflag:s12], $0x80  }
0x1b: {  	[sflag:s12] =	ssyncset.done $0x0  }
0x1c: {  	[sflag:s12] =	ssyncadd.s32 $0xFFFFFF80  }
0x1d: {  	[tilespmem:s15], [sflag:$0x2] =	stream.indirect.gather [hbm4b:s4+s13], $0x80, s13, s13, $0xb8;
	[tilespmem:$0x8100] =	vst v63  }
0x1e: {  	_ =	swait.ge [sflag:s16], $0x4000  }
0x1f: {  	[sflag:s16] =	ssyncset.done $0x0  }
0x20: {  	s19 =	sadd.s32 $0x0, s8;
	[sflag:s16] =	ssyncadd.s32 $0xFFFFC000  }
0x21: {  	[hbm4b:s19+s3] =	stream.linear.scatter [tilespmem:s14], [sflag:$0x3], $0x4000, $0x38;
	[tilespmem:$0x8100] =	vst v63  }
0x22: {  	_ =	swait.ge [sflag:s12], $0x4000  }
0x23: {  	s30 =	sshrl.u32 s9, $0x3;
	[sflag:s12] =	ssyncset.done $0x0  }
0x24: {  	s19 =	sadd.s32 s2, s30;
	[sflag:s12] =	ssyncadd.s32 $0xFFFFC000  }
0x25: {  	[tilespmem:s3], [sflag:$0x3] =	stream.linear.gather [hbm4b:s19+s3], $0x80, $0x38;
	[tilespmem:$0x8100] =	vst v63  }
0x26: {  	_ =	swait.ge [sflag:s12], $0x80  }
0x27: {  	[sflag:s12] =	ssyncset.done $0x0  }
0x28: {  	[sflag:s12] =	ssyncadd.s32 $0xFFFFFF80  }
0x29: {  	[tilespmem:s14], [sflag:$0x1] =	stream.indirect.gather [hbm4b:s4+s13], $0x80, s3, s13, $0xb8;
	[tilespmem:$0x8100] =	vst v63  }
0x2a: {  	_ =	swait.ge [sflag:s17], $0x4000  }
0x2b: {  	[sflag:s17] =	ssyncset.done $0x0  }
0x2c: {  	s31 =	sadd.s32 $0x0, s10;
	[sflag:s17] =	ssyncadd.s32 $0xFFFFC000  }
0x2d: {  	[hbm4b:s31+s3] =	stream.linear.scatter [tilespmem:s15], [sflag:$0x3], $0x4000, $0x38;
	[tilespmem:$0x8100] =	vst v63  }
0x2e: {  	s20 =	smov.u32 s9;
	_ =	swait.ge [sflag:s12], $0x4000  }
0x2f: {  	s21 =	smov.u32 s11;
	s19 =	simm.s32 $0x1000;
	[sflag:s12] =	ssyncset.done $0x0  }
.LBB2_2:
0x30: {  	[sflag:s12] =	ssyncadd.s32 $0xFFFFC000  }
0x31: {  	s20 =	sadd.s32 $0x100, s20;
	s21 =	sadd.s32 $0x20, s21;
	s22 =	smov.u32 s19  }
0x32: {  	[tilespmem:s13], [sflag:$0x3] =	stream.linear.gather [hbm4b:s21+s3], $0x80, $0x38;
	[tilespmem:$0x8100] =	vst v63  }
0x33: {  	p0 =	sne.s32 s19, $0xB000;
	s19 =	sadd.s32 $0x1000, s19;
	_ =	swait.ge [sflag:s12], $0x80  }
0x34: {  	[sflag:s12] =	ssyncset.done $0x0  }
0x35: {  	[sflag:s12] =	ssyncadd.s32 $0xFFFFFF80  }
0x36: {  	[tilespmem:s15], [sflag:$0x2] =	stream.indirect.gather [hbm4b:s4+s13], $0x80, s13, s13, $0xb8;
	[tilespmem:$0x8100] =	vst v63  }
0x37: {  	_ =	swait.ge [sflag:s16], $0x4000  }
0x38: {  	[sflag:s16] =	ssyncset.done $0x0  }
0x39: {  	s23 =	sadd.s32 s22, s8;
	[sflag:s16] =	ssyncadd.s32 $0xFFFFC000  }
0x3a: {  	[hbm4b:s23+s3] =	stream.linear.scatter [tilespmem:s14], [sflag:$0x3], $0x4000, $0x38;
	[tilespmem:$0x8100] =	vst v63  }
0x3b: {  	_ =	swait.ge [sflag:s12], $0x4000  }
0x3c: {  	s23 =	sshrl.u32 s20, $0x3;
	[sflag:s12] =	ssyncset.done $0x0  }
0x3d: {  	s23 =	sadd.s32 s2, s23;
	[sflag:s12] =	ssyncadd.s32 $0xFFFFC000  }
0x3e: {  	[tilespmem:s3], [sflag:$0x3] =	stream.linear.gather [hbm4b:s23+s3], $0x80, $0x38;
	[tilespmem:$0x8100] =	vst v63  }
0x3f: {  	_ =	swait.ge [sflag:s12], $0x80  }
0x40: {  	[sflag:s12] =	ssyncset.done $0x0  }
0x41: {  	[sflag:s12] =	ssyncadd.s32 $0xFFFFFF80  }
0x42: {  	[tilespmem:s14], [sflag:$0x1] =	stream.indirect.gather [hbm4b:s4+s13], $0x80, s3, s13, $0xb8;
	[tilespmem:$0x8100] =	vst v63  }
0x43: {  	_ =	swait.ge [sflag:s17], $0x4000  }
.Ltmp0:
0x44: {  	[sflag:s17] =	ssyncset.done $0x0;
	(pc) =	sbr.rel @p0 .LBB2_2-.Ltmp0, $4  }
0x45: {  	s22 =	sadd.s32 s22, s10;
	[sflag:s17] =	ssyncadd.s32 $0xFFFFC000  }
0x46: {  	[hbm4b:s22+s3] =	stream.linear.scatter [tilespmem:s15], [sflag:$0x3], $0x4000, $0x38;
	[tilespmem:$0x8100] =	vst v63  }
0x47: {  	_ =	swait.ge [sflag:s12], $0x4000  }
0x48: {  	[sflag:s12] =	ssyncset.done $0x0  }
0x49: {  	[sflag:s12] =	ssyncadd.s32 $0xFFFFC000  }
0x4a: {  	s18 =	sadd.s32 $0x1, s18;
	_ =	swait.ge [sflag:s16], $0x4000  }
0x4b: {  	p0 =	sne.s32 s18, s7;
	[sflag:s16] =	ssyncset.done $0x0  }
.Ltmp1:
0x4c: {  	[sflag:s16] =	ssyncadd.s32 $0xFFFFC000;
	(pc) =	sbr.rel @p0 .LBB2_1-.Ltmp1, $4  }
0x4d: {  	[hbm4b:s6+s3] =	stream.linear.scatter [tilespmem:s14], [sflag:$0x3], $0x4000, $0x38;
	[tilespmem:$0x8100] =	vst v63  }
0x4e: {  	_ =	swait.ge [sflag:s12], $0x4000  }
0x4f: {  	[sflag:s12] =	ssyncset.done $0x0  }
0x50: {  	[sflag:s12] =	ssyncadd.s32 $0xFFFFC000  }
0x51: {  	_ =	sfence.sel $0x180000  }
0x52: {  	[bflag:$0x0] =	sbarrier.arrive $0xFFFF  }
0x53: {  	p0 =	sne.s32 s1, $0x0;
	_ =	strace $0x90000047  }
0x54: {  	s0 =	sadd.s32 @!p0 $0x100000, s0;
	[bflag:$0x2] =	sbarrier.arrive $0xFFFF  }
0x55: {  	[sflag:s0] =	ssyncadd.tile.s32 @!p0 $0x1;
	_ =	shalt  }
.Lfunc_end2:
_tile_overlayer_lowered:
.L_overlay_start_2:
0x56: {  	(tag) =	ssettag $0x2  }
0x57: {  	s0 =	rddreg [dreg:$0x0];
	s2 =	stileid.u32  }
0x58: {  	s1 =	rddreg [dreg:$0x1];
	p0 =	sne.s32 s2, $0x0  }
0x59: {  	s3 =	rddreg [dreg:$0x2];
	[bflag:$0x3] =	sbarrier.arrive $0xFFFF;
	s2 =	simm.s32 @!p0 $0x1C03  }
0x5a: {  	[timem:s3], [sflag:s2] =	dma.local @!p0 [hbm:s0], s1  }
0x5b: {  	s0 =	simm.s32 @!p0 $0x3  }
0x5c: {  	_ =	swait.ge @!p0 [sflag:s0], s1  }
0x5d: {  	s1 =	ssub.s32 @!p0 $0x0, s1;
	[sflag:s0] =	ssyncset.done @!p0 $0x0  }
0x5e: {  	[sflag:s0] =	ssyncadd.s32 @!p0 s1  }
0x5f: {  	[bflag:$0x3] =	sbarrier.arrive $0xFFFF  }
0x60: {  	_ =	shalt  }

// kernel: kernel.8.cloned.1.call-start
scs
__scs_entry_jumppad:
0x0: {  	(pc) =	sbr.rel $0x88, $3  }
0x1: {  	(tag) =	ssettag $0x0;
	lr =	simm.s32 $0x1  }
0x2: {  	[smem:$0x3F94] =	sst lr;
	_ =	strace $0xD0000000  }
0x3: {  	_ = 	snop  }
0x4: {  	_ = 	snop  }
0x5: {  	_ = 	snop  }
0x6: {  	_ = 	snop  }
0x7: {  	_ = 	snop  }
__scs_overlays_trampoline_lowered:
0x8: {  	[smem:$0x3FA3] =	sst s0  }
0x9: {  	[smem:$0x3FA4] =	sst s1  }
0xa: {  	[smem:$0x3FA5] =	sst s2  }
0xb: {  	[smem:$0x3FA6] =	sst s3  }
0xc: {  	[smem:$0x3FA7] =	sst s4  }
0xd: {  	[smem:$0x3FA8] =	sst s5  }
0xe: {  	[smem:$0x3FA9] =	sst s6  }
0xf: {  	[smem:$0x3FAA] =	sst s7  }
0x10: {  	[smem:$0x3FAB] =	sst s8  }
0x11: {  	[smem:$0x3FAC] =	sst s9;
	s0 =	simm.s32 @!p0 $0x0  }
0x12: {  	s1 =	sld [smem:$0x3F92];
	s0 =	simm.s32 @p0 $0x1  }
0x13: {  	[smem:$0x3FAD] =	sst s0;
	s0 =	simm.s32 @!p1 $0x0  }
0x14: {  	s2 =	sld [smem:$0x3F91];
	s0 =	simm.s32 @p1 $0x1  }
0x15: {  	[smem:$0x3FAE] =	sst s0;
	s0 =	simm.s32 @!p2 $0x0  }
0x16: {  	s3 =	sld [smem:$0x3FDB];
	s0 =	simm.s32 @p2 $0x1  }
0x17: {  	s4 =	simm.s32 $0x1BF5;
	[smem:$0x3FB0] =	sst s0  }
0x18: {  	s0 =	sld [smem:$0x3F93];
	_ =	swait.ge [sflag:s4], $0x0  }
0x19: {  	s7 =	sld [smem:$0x3F94]  }
0x1a: {  	s8 =	sadd.s32 $0xFFFFE003, lr  }
0x1b: {  	s9 =	sadd.s32 $0xFFFFFEF7, lr;
	s5 =	simm.s32 $0xFFFFFFFF;
	p2 =	slt.u32 s8, $0xFFFFF086  }
0x1c: {  	p1 =	slt.u32 s9, $0xF7A;
	s5 =	simm.s32 @!p2 $0x0  }
0x1d: {  	s5 =	simm.s32 @p1 $0x1;
	p0 =	seq.s32 s7, s2  }
0x1e: {  	s7 =	smul.u32 @!p0 $0xF7A, s2;
	p2 =	seq.s32 @!p0 s5, $0x0  }
0x1f: {  	s9 =	smul.u32 $0xF7A, s1;
	s8 =	simm.s32 @!p0 $0x1BF5;
	p2 =	por !p2, p0  }
0x20: {  	[sflag:s8] =	ssyncset.s32 @!p0 $0xFFFFF086;
	s6 =	sadd.s32 @!p0 s3, s7;
	s7 =	simm.s32 @!p0 $0x108  }
0x21: {  	s3 =	sadd.s32 s3, s9;
	s6 =	sadd.s32 @!p0 $0x88, s6;
	s7 =	simm.s32 @p2 $0x1082  }
0x22: {  	[simem:s7], [sflag:s8] =	dma.local @!p0 [hbm:s6], $0xF7A  }
0x23: {  	s9 =	sor.u32 $0xD0000000, s2;
	s6 =	simm.s32 $0x108;
	_ =	swait.ge @!p0 [sflag:s8], $0x0  }
0x24: {  	s3 =	sadd.s32 $0x88, s3;
	s6 =	simm.s32 @!p1 $0x1082;
	[sflag:s4] =	ssyncset.s32 $0xFFFFF086  }
0x25: {  	[simem:s6], [sflag:s4] =	dma.local [hbm:s3], $0xF7A  }
0x26: {  	[smem:$0x3F94] =	sst s1;
	(tag) =	ssettag s2;
	_ =	strace s9  }
0x27: {  	s1 =	sld [smem:$0x3FA4]  }
0x28: {  	s2 =	sld [smem:$0x3FA5]  }
0x29: {  	s4 =	sld [smem:$0x3FA7]  }
0x2a: {  	p0 =	seq.s32 s5, $0x0;
	s5 =	sld [smem:$0x3FA8]  }
0x2b: {  	s6 =	sld [smem:$0x3FA9]  }
0x2c: {  	s7 =	sld [smem:$0x3FAA]  }
0x2d: {  	s3 =	simm.s32 $0x108;
	s8 =	sld [smem:$0x3FAB]  }
0x2e: {  	s3 =	simm.s32 @!p0 $0x1082;
	s9 =	sld [smem:$0x3FAC]  }
0x2f: {  	lr =	sadd.s32 s0, s3;
	s0 =	sld [smem:$0x3FA3]  }
0x30: {  	s3 =	sld [smem:$0x3FA6]  }
0x31: {  	[smem:$0x3FAF] =	sst s10  }
0x32: {  	s10 =	sld [smem:$0x3FAD];
	_ =	sdelay $0x3  }
0x33: {  	p0 =	seq.s32 s10, $0x1;
	s10 =	sld [smem:$0x3FAF];
	_ =	sdelay $0x3  }
0x34: {  	[smem:$0x3FAF] =	sst s10  }
0x35: {  	s10 =	sld [smem:$0x3FAE];
	_ =	sdelay $0x3  }
0x36: {  	p1 =	seq.s32 s10, $0x1;
	s10 =	sld [smem:$0x3FAF];
	_ =	sdelay $0x3  }
0x37: {  	[smem:$0x3FAF] =	sst s10  }
0x38: {  	s10 =	sld [smem:$0x3FB0]  }
0x39: {  	_ = 	snop;
	(pc) =	sbr.ind lr, $3  }
0x3a: {  	_ = 	snop  }
0x3b: {  	_ = 	snop  }
0x3c: {  	p2 =	seq.s32 s10, $0x1;
	s10 =	sld [smem:$0x3FAF]  }
0x3d: {  	_ =	shalt  }
0x3e: {  	_ =	shalt  }
0x3f: {  	_ =	shalt  }
0x40: {  	_ =	shalt  }
0x41: {  	_ =	shalt  }
0x42: {  	_ =	shalt  }
0x43: {  	_ =	shalt  }
0x44: {  	_ =	shalt  }
0x45: {  	_ =	shalt  }
0x46: {  	_ =	shalt  }
0x47: {  	_ =	shalt  }
0x48: {  	_ =	shalt  }
0x49: {  	_ =	shalt  }
0x4a: {  	_ =	shalt  }
0x4b: {  	_ =	shalt  }
0x4c: {  	_ =	shalt  }
0x4d: {  	_ =	shalt  }
0x4e: {  	_ =	shalt  }
0x4f: {  	_ =	shalt  }
0x50: {  	_ =	shalt  }
0x51: {  	_ =	shalt  }
0x52: {  	_ =	shalt  }
0x53: {  	_ =	shalt  }
0x54: {  	_ =	shalt  }
0x55: {  	_ =	shalt  }
0x56: {  	_ =	shalt  }
0x57: {  	_ =	shalt  }
0x58: {  	_ =	shalt  }
0x59: {  	_ =	shalt  }
0x5a: {  	_ =	shalt  }
0x5b: {  	_ =	shalt  }
0x5c: {  	_ =	shalt  }
0x5d: {  	_ =	shalt  }
0x5e: {  	_ =	shalt  }
0x5f: {  	_ =	shalt  }
0x60: {  	_ =	shalt  }
0x61: {  	_ =	shalt  }
0x62: {  	_ =	shalt  }
0x63: {  	_ =	shalt  }
0x64: {  	_ =	shalt  }
0x65: {  	_ =	shalt  }
0x66: {  	_ =	shalt  }
0x67: {  	_ =	shalt  }
0x68: {  	_ =	shalt  }
0x69: {  	_ =	shalt  }
0x6a: {  	_ =	shalt  }
0x6b: {  	_ =	shalt  }
0x6c: {  	_ =	shalt  }
0x6d: {  	_ =	shalt  }
0x6e: {  	_ =	shalt  }
0x6f: {  	_ =	shalt  }
0x70: {  	_ =	shalt  }
0x71: {  	_ =	shalt  }
0x72: {  	_ =	shalt  }
0x73: {  	_ =	shalt  }
0x74: {  	_ =	shalt  }
0x75: {  	_ =	shalt  }
0x76: {  	_ =	shalt  }
0x77: {  	_ =	shalt  }
0x78: {  	_ =	shalt  }
0x79: {  	_ =	shalt  }
0x7a: {  	_ =	shalt  }
0x7b: {  	_ =	shalt  }
0x7c: {  	_ =	shalt  }
0x7d: {  	_ =	shalt  }
0x7e: {  	_ =	shalt  }
0x7f: {  	_ =	shalt  }
0x80: {  	_ =	shalt  }
0x81: {  	_ =	shalt  }
0x82: {  	_ =	shalt  }
0x83: {  	_ =	shalt  }
0x84: {  	_ =	shalt  }
0x85: {  	_ =	shalt  }
0x86: {  	_ =	shalt  }
0x87: {  	_ =	shalt  }
.Lfunc_end0:
.L_simem_size_0:
called_computation.1_lowered:
.L_overlay_start_0:
0x88: {  	s2 =	sld [smem:$0x3FD9]  }
0x89: {  	s3 =	sld [smem:$0x3FFE];
	_ =	sdelay $0x1  }
0x8a: {  	s1 =	srdreg.scid  }
0x8b: {  	s0 =	sand.u32 $0x1, s1  }
0x8c: {  	s16 =	sshll.u32 s0, $0xA;
	s2 =	sadd.s32 s3, s2  }
0x8d: {  	s2 =	sadd.s32 s2, s16  }
0x8e: {  	[smem:$0x3FBB] =	sst s2  }
0x8f: {  	_ = 	snop  }
0x90: {  	(tm) =	ssettm $0x1  }
0x91: {  	s17 =	sld [smem:$0x3FFB];
	_ =	sdelay $0x3  }
0x92: {  	_ =	strace s17  }
0x93: {  	s2 =	sld [smem:$0x3FFC];
	_ =	sdelay $0x3  }
0x94: {  	_ =	strace s2  }
0x95: {  	s2 =	sld [smem:$0x3FFD];
	_ =	sdelay $0x3  }
0x96: {  	_ =	strace s2  }
0x97: {  	_ =	strace $0x8FFFFFFF  }
0x98: {  	s18 =	sld [smem:$0x3FDB];
	_ =	sdelay $0x1  }
0x99: {  	s19 =	simm.s32 $_scs_section_size  }
0x9a: {  	s4 =	simm.s32 $_size__tile_overlayer_lowered;
	s5 =	simm.s32 $_tile_overlayer_lowered  }
0x9b: {  	s22 =	simm.s32 $0x1BFF;
	s21 =	sshll.u32 s5, $0x1;
	s2 =	sadd.s32 s19, s18  }
0x9c: {  	s6 =	simm.s32 $0x0;
	s20 =	sshll.u32 s4, $0x1;
	s4 =	sadd.s32 s21, s2  }
0x9d: {  	[timem:s6], [sflag:s22] =	dma.local [hbm:s4], s20  }
0x9e: {  	_ =	swait.ge [sflag:s22], s20  }
0x9f: {  	s3 =	ssub.s32 $0x0, s20;
	[sflag:s22] =	ssyncset.done $0x0  }
0xa0: {  	[sflag:s22] =	ssyncadd.s32 s3;
	_ =	sdelay $0x1  }
0xa1: {  	s23 =	simm.s32 $0x1B8B  }
0xa2: {  	_ =	swait.ge [sflag:s23], $0x1  }
0xa3: {  	[sflag:s23] =	ssyncset.done $0x0  }
0xa4: {  	s25 =	simm.s32 $0x1B8E;
	s24 =	sld [smem:$0x3FFE];
	[sflag:s23] =	ssyncadd.s32 $0xFFFFFFFF  }
0xa5: {  	s26 =	simm.s32 $execute0_lowered;
	[smem:$0x3FD2] =	sst s25  }
0xa6: {  	s4 =	sshll.u32 s26, $0x1;
	_ =	strace $0x80000049;
	[dreg:$0x1] =	wrdreg $0xFFFFFFFF  }
0xa7: {  	s28 =	simm.s32 $_size_execute0_lowered;
	s2 =	sadd.s32 s2, s4;
	[dreg:$0x0] =	wrdreg $0x0  }
0xa8: {  	s4 =	sshll.u32 s28, $0x1;
	[dreg:$0x2] =	wrdreg s2  }
0xa9: {  	[dreg:$0x3] =	wrdreg s4  }
0xaa: {  	[dreg:$0x4] =	wrdreg $0xC0  }
0xab: {  	_ =	task [dreg:s6], $0x5FFFF  }
0xac: {  	[dreg:$0x1] =	wrdreg $0xFFFFFFFF  }
0xad: {  	[dreg:$0x0] =	wrdreg $0x60  }
0xae: {  	[dreg:$0x2] =	wrdreg s24  }
0xaf: {  	[dreg:$0x3] =	wrdreg $0x40800  }
0xb0: {  	[dreg:$0x4] =	wrdreg $0x9  }
0xb1: {  	_ =	task.clear_ibuf [dreg:s6], $0x5FFFF;
	_ =	strace $0x90000049  }
0xb2: {  	s29 =	simm.s32 $0x9;
	_ =	strace $0x8000004B  }
0xb3: {  	_ =	swait.ge [sflag:s29], $0x1  }
0xb4: {  	[sflag:s29] =	ssyncadd.s32 $0xFFFFFFFF  }
0xb5: {  	_ =	strace $0x9000004B  }
0xb6: {  	_ =	sfence  }
0xb7: {  	s30 =	sld [smem:$0x0];
	_ =	sdelay $0x2  }
0xb8: {  	s31 =	sshll.u32 s1, $0xD;
	s1 =	sshrl.u32 s1, $0x2  }
0xb9: {  	s3 =	sand.u32 $0x4000, s31;
	s1 =	sadd.s32 s1, s30  }
0xba: {  	s0 =	sor.u32 s3, s0;
	s1 =	sshll.u32 s1, $0x11  }
0xbb: {  	s0 =	sor.u32 s1, s0  }
0xbc: {  	s0 =	sadd.s32 $0x8F2B, s0  }
0xbd: {  	[sflag:s0] =	ssyncadd.remote.s32 $0x1  }
0xbe: {  	_ =	sfence.sel $0xFFFF  }
0xbf: {  	[dreg:$0x0] =	wrdreg $0xFFFFFFFF;
	(pc) =	sbr.abs _section_cstart, $3  }
0xc0: {  	[dreg:$0x1] =	wrdreg $0xFFFFFFFF  }
0xc1: {  	_ =	task.clear_ibuf [dreg:s6], $0x2FFFF;
	_ =	strace $0x9FFFFFFF  }
0xc2: {  	(tm) =	ssettm $0x7FFFFFFF  }
0xc3: {  	_ =	shalt  }
tec
execute0_lowered:
.L_overlay_start_1:
0x0: {  	(tag) =	ssettag $0x1  }
0x1: {  	s1 =	srdreg.scid  }
0x2: {  	s1 =	sand.u32 $0x1, s1  }
0x3: {  	p0 =	seq.s32 s1, $0x1  }
.Ltmp0:
0x4: {  	_ = 	snop;
	(pc) =	sbr.rel @p0 .LBB2_4-.Ltmp0, $4  }
0x5: {  	s9 =	rddreg [dreg:$0x0]  }
0x6: {  	s2 =	rddreg [dreg:$0x1];
	s3 =	simm.s32 $0x0  }
0x7: {  	[smem:$0x7FF] =	sst s3  }
0x8: {  	s0 =	rddreg [dreg:$0x2];
	_ =	strace $0x8000004A;
	s1 =	stileid.u32  }
0x9: {  	s4 =	smul.u32 $0x50000, s1  }
0xa: {  	s10 =	smul.u32 $0x2800, s1  }
0xb: {  	s5 =	sadd.s32 $0x1BE600, s9;
	s4 =	sshrl.u32 s4, $0x2  }
0xc: {  	s28 =	sshll.u32 s1, $0x6;
	s7 =	sadd.s32 s5, s10;
	s6 =	sadd.s32 s4, s2  }
0xd: {  	s4 =	sor.u32 $0x1C01, s28;
	s5 =	sshrl.u32 s6, $0x3;
	s6 =	simm.s32 $0x1  }
0xe: {  	[spmem:s5], [sflag:s4] =	dma.local [hbm:s7], $0x2800  }
0xf: {  	s29 =	smul.u32 $0x320, s1;
	_ =	swait.ge [sflag:s6], $0x2800  }
0x10: {  	s8 =	sadd.s32 $0x1E6600, s9;
	[sflag:s6] =	ssyncset.done $0x0  }
0x11: {  	s8 =	sadd.s32 s29, s8;
	[sflag:s6] =	ssyncadd.s32 $0xFFFFD800  }
0x12: {  	s11 =	sadd.s32 $0x0, s8;
	s7 =	simm.s32 $0x4000;
	[bflag:$0x0] =	sbarrier.arrive $0xFFFF  }
0x13: {  	[tilespmem:s7], [sflag:$0x1] =	stream.linear.gather [hbm4b:s11+s3], $0x80, $0x38;
	[tilespmem:$0x18080] =	vst v63  }
0x14: {  	s30 =	smul.u32 $0x19000, s1;
	_ =	swait.ge [sflag:s6], $0x80  }
0x15: {  	s12 =	sadd.s32 $0x68D000, s9;
	[sflag:s6] =	ssyncset.done $0x0  }
0x16: {  	s11 =	sadd.s32 s30, s12;
	[sflag:s6] =	ssyncadd.s32 $0xFFFFFF80  }
0x17: {  	[tilespmem:s3], [sflag:$0x1] =	stream.linear.gather [hbm4b:s11+s3], $0x4000, $0x38;
	[tilespmem:$0x18080] =	vst v63  }
0x18: {  	_ =	swait.ge [sflag:s6], $0x4000  }
0x19: {  	[sflag:s6] =	ssyncset.done $0x0  }
0x1a: {  	s31 =	sadd.s32 s10, s9;
	s10 =	simm.s32 $0x80;
	[sflag:s6] =	ssyncadd.s32 $0xFFFFC000  }
0x1b: {  	[spmem:s2] =	stream.indirect.scatter.add.f32 [tilespmem:s3], [sflag:$0x1], $0x80, s7, s10, $0xb8;
	[tilespmem:$0x18080] =	vst v63  }
0x1c: {  	s13 =	simm.s32 $0x20;
	s9 =	sadd.s32 $0x4200, s31;
	_ =	swait.ge [sflag:s6], $0x4000  }
0x1d: {  	s12 =	simm.s32 $0x10;
	s11 =	sadd.s32 $0x800, s11;
	[sflag:s6] =	ssyncset.done $0x0  }
.LBB2_2:
0x1e: {  	s14 =	sadd.s32 s12, s8  }
0x1f: {  	[sflag:s6] =	ssyncadd.s32 $0xFFFFC000;
	s12 =	smov.u32 s13;
	s15 =	sadd.s32 $0x10, s13  }
0x20: {  	[tilespmem:s7], [sflag:$0x1] =	stream.linear.gather [hbm4b:s14+s3], $0x80, $0x38;
	[tilespmem:$0x18080] =	vst v63  }
0x21: {  	p0 =	sne.s32 s13, $0x310;
	_ =	swait.ge [sflag:s6], $0x80  }
0x22: {  	[sflag:s6] =	ssyncset.done $0x0  }
0x23: {  	[sflag:s6] =	ssyncadd.s32 $0xFFFFFF80  }
0x24: {  	[tilespmem:s3], [sflag:$0x1] =	stream.linear.gather [hbm4b:s11+s3], $0x4000, $0x38;
	[tilespmem:$0x18080] =	vst v63  }
0x25: {  	_ =	swait.ge [sflag:s6], $0x4000  }
.Ltmp1:
0x26: {  	[sflag:s6] =	ssyncset.done $0x0;
	(pc) =	sbr.rel @p0 .LBB2_2-.Ltmp1, $4  }
0x27: {  	[sflag:s6] =	ssyncadd.s32 $0xFFFFC000  }
0x28: {  	[spmem:s2] =	stream.indirect.scatter.add.f32 [tilespmem:s3], [sflag:$0x1], $0x80, s7, s10, $0xb8;
	[tilespmem:$0x18080] =	vst v63  }
0x29: {  	_ =	swait.ge [sflag:s6], $0x4000  }
0x2a: {  	s13 =	smov.u32 s15;
	s11 =	sadd.s32 $0x800, s11;
	[sflag:s6] =	ssyncset.done $0x0  }
0x2b: {  	s8 =	sadd.s32 s12, s8;
	[sflag:s6] =	ssyncadd.s32 $0xFFFFC000  }
0x2c: {  	[tilespmem:s7], [sflag:$0x1] =	stream.linear.gather [hbm4b:s8+s3], $0x80, $0x38;
	[tilespmem:$0x18080] =	vst v63  }
0x2d: {  	_ =	swait.ge [sflag:s6], $0x80  }
0x2e: {  	[sflag:s6] =	ssyncset.done $0x0  }
0x2f: {  	[sflag:s6] =	ssyncadd.s32 $0xFFFFFF80  }
0x30: {  	[tilespmem:s3], [sflag:$0x1] =	stream.linear.gather [hbm4b:s11+s3], $0x4000, $0x38;
	[tilespmem:$0x18080] =	vst v63  }
0x31: {  	_ =	swait.ge [sflag:s6], $0x4000  }
0x32: {  	[sflag:s6] =	ssyncset.done $0x0  }
0x33: {  	[sflag:s6] =	ssyncadd.s32 $0xFFFFC000  }
0x34: {  	[spmem:s2] =	stream.indirect.scatter.add.f32 [tilespmem:s3], [sflag:$0x1], $0x80, s7, s10, $0xb8;
	[tilespmem:$0x18080] =	vst v63  }
0x35: {  	_ =	swait.ge [sflag:s6], $0x4000  }
0x36: {  	[sflag:s6] =	ssyncset.done $0x0  }
0x37: {  	[sflag:s6] =	ssyncadd.s32 $0xFFFFC000  }
0x38: {  	s31 =	simm.s32 $0x1;
	[bflag:$0x0] =	sbarrier.arrive $0xFFFF  }
0x39: {  	[hbm:s9], [sflag:s4] =	dma.local [spmem:s5], $0x2800  }
0x3a: {  	_ =	swait.ge [sflag:s31], $0x2800  }
0x3b: {  	[sflag:s31] =	ssyncset.done $0x0  }
0x3c: {  	[sflag:s31] =	ssyncadd.s32 $0xFFFFD800  }
.LBB2_4:
0x3d: {  	_ =	sfence.sel $0x180000  }
0x3e: {  	[bflag:$0x0] =	sbarrier.arrive $0xFFFF  }
0x3f: {  	p0 =	sne.s32 s1, $0x0;
	_ =	strace $0x9000004A  }
0x40: {  	s0 =	sadd.s32 @!p0 $0x100000, s0;
	[bflag:$0x2] =	sbarrier.arrive $0xFFFF  }
0x41: {  	[sflag:s0] =	ssyncadd.tile.s32 @!p0 $0x1;
	_ =	shalt  }
.Lfunc_end2:
_tile_overlayer_lowered:
.L_overlay_start_2:
0x42: {  	(tag) =	ssettag $0x2  }
0x43: {  	s0 =	rddreg [dreg:$0x0];
	s2 =	stileid.u32  }
0x44: {  	s1 =	rddreg [dreg:$0x1];
	p0 =	sne.s32 s2, $0x0  }
0x45: {  	s3 =	rddreg [dreg:$0x2];
	[bflag:$0x3] =	sbarrier.arrive $0xFFFF;
	s2 =	simm.s32 @!p0 $0x1C01  }
0x46: {  	[timem:s3], [sflag:s2] =	dma.local @!p0 [hbm:s0], s1  }
0x47: {  	s0 =	simm.s32 @!p0 $0x1  }
0x48: {  	_ =	swait.ge @!p0 [sflag:s0], s1  }
0x49: {  	s1 =	ssub.s32 @!p0 $0x0, s1;
	[sflag:s0] =	ssyncset.done @!p0 $0x0  }
0x4a: {  	[sflag:s0] =	ssyncadd.s32 @!p0 s1  }
0x4b: {  	[bflag:$0x3] =	sbarrier.arrive $0xFFFF  }
0x4c: {  	_ =	shalt  }

</sc_bundles>
